<compile_context>
chip_gen: v7x
topology: tpu7x:2x2x1
jax: 0.10.2.dev20260603
libtpu: 0.0.44.dev20260713+nightly
codegen_flags: <defaults>
</compile_context>

<pallas_src>
import functools

import jax
import jax.numpy as jnp
from jax import lax
from jax.experimental import pallas as pl
from jax.experimental.pallas import tpu as pltpu
from jax.experimental.pallas import tpu_sc as plsc

N = 10000
E = 160000
H = 256
HH = 128
G = 3 * H
L = 3

NS = 16
EDGES_PER_TILE = E // NS
CHUNK = 64
NCHUNK = 160
DEPTH = 3
EPT_PAD = NCHUNK * CHUNK
NPAD = 10240
ROWS_PER_TILE = NPAD // NS

BR = 1000


def _mm_a_body(x_ref, w_ref, m0_ref, m1_ref):
    acc = jnp.dot(x_ref[...].astype(jnp.bfloat16), w_ref[...],
                  preferred_element_type=jnp.float32)
    m0_ref[...] = acc[:, :HH]
    m1_ref[...] = acc[:, HH:H]


def _matmul_a(x, w):
    return pl.pallas_call(
        _mm_a_body,
        grid=(N // BR,),
        in_specs=[
            pl.BlockSpec((BR, H), lambda i: (i, 0)),
            pl.BlockSpec((H, H), lambda i: (0, 0)),
        ],
        out_specs=[
            pl.BlockSpec((BR, HH), lambda i: (i, 0)),
            pl.BlockSpec((BR, HH), lambda i: (i, 0)),
        ],
        out_shape=[
            jax.ShapeDtypeStruct((N, HH), jnp.float32),
            jax.ShapeDtypeStruct((N, HH), jnp.float32),
        ],
    )(x, w)


def _gru_body(add_res, a0_ref, a1_ref, wi_ref, wh_ref, bi_ref, bh_ref,
              x_ref, *rest):
    out_ref = rest[-1]
    wi = wi_ref[...]
    x = x_ref[...]
    gh = jnp.dot(x.astype(jnp.bfloat16), wh_ref[...],
                 preferred_element_type=jnp.float32)
    gh = gh + bh_ref[...]
    gi = jnp.dot(a0_ref[...].astype(jnp.bfloat16), wi[:HH, :],
                 preferred_element_type=jnp.float32)
    gi = gi + jnp.dot(a1_ref[...].astype(jnp.bfloat16), wi[HH:, :],
                      preferred_element_type=jnp.float32)
    gi = gi + bi_ref[...]
    r = jax.nn.sigmoid(gi[:, :H] + gh[:, :H])
    z = jax.nn.sigmoid(gi[:, H:2 * H] + gh[:, H:2 * H])
    n = jnp.tanh(gi[:, 2 * H:] + r * gh[:, 2 * H:])
    out = (1.0 - z) * n + z * x
    if add_res:
        out = out + rest[0][...]
    out_ref[...] = out


def _gru(a0, a1, wihT, whhT, bi, bh, x, res):
    add_res = res is not None
    in_specs = [
        pl.BlockSpec((BR, HH), lambda i: (i, 0)),
        pl.BlockSpec((BR, HH), lambda i: (i, 0)),
        pl.BlockSpec((H, G), lambda i: (0, 0)),
        pl.BlockSpec((H, G), lambda i: (0, 0)),
        pl.BlockSpec((1, G), lambda i: (0, 0)),
        pl.BlockSpec((1, G), lambda i: (0, 0)),
        pl.BlockSpec((BR, H), lambda i: (i, 0)),
    ]
    args = [a0, a1, wihT, whhT, bi, bh, x]
    if add_res:
        in_specs.append(pl.BlockSpec((BR, H), lambda i: (i, 0)))
        args.append(res)
    return pl.pallas_call(
        functools.partial(_gru_body, add_res),
        grid=(N // BR,),
        in_specs=in_specs,
        out_specs=pl.BlockSpec((BR, H), lambda i: (i, 0)),
        out_shape=jax.ShapeDtypeStruct((N, H), jnp.float32),
    )(*args)


@functools.cache
def _make_sc_segsum():
    return pl.kernel(
        _sc_segsum_body,
        out_type=[
            jax.ShapeDtypeStruct((NPAD, HH), jnp.float32),
            jax.ShapeDtypeStruct((NPAD, HH), jnp.float32),
        ],
        mesh=plsc.VectorSubcoreMesh(core_axis_name="c", subcore_axis_name="s",
                                    num_cores=2, num_subcores=NS),
        scratch_types=[
            pltpu.VMEM((EPT_PAD,), jnp.int32),
            pltpu.VMEM((EPT_PAD,), jnp.int32),
        ] + [pltpu.VMEM((CHUNK, HH), jnp.float32)] * DEPTH + [
            pltpu.VMEM_SHARED((NPAD, HH), jnp.float32),
        ] + [pltpu.SemaphoreType.DMA] * (2 * DEPTH),
    )


def _sc_segsum_body(m0_hbm, m1_hbm, src_hbm, dst_hbm, zeros_hbm,
                    out0_hbm, out1_hbm, sidx, didx, *rest):
    rows = rest[:DEPTH]
    acc = rest[DEPTH]
    gsems = rest[DEPTH + 1:DEPTH + 1 + DEPTH]
    ssems = rest[DEPTH + 1 + DEPTH:]
    c = lax.axis_index("c")
    s = lax.axis_index("s")
    row0 = s * ROWS_PER_TILE
    pltpu.sync_copy(zeros_hbm, acc.at[pl.ds(row0, ROWS_PER_TILE)])
    ebase = pl.multiple_of(s * EPT_PAD, 8)
    pltpu.sync_copy(src_hbm.at[pl.ds(ebase, EPT_PAD)], sidx)
    pltpu.sync_copy(dst_hbm.at[pl.ds(ebase, EPT_PAD)], didx)
    plsc.subcore_barrier()

    def gather(k, b):
        idx = sidx.at[pl.ds(k * CHUNK, CHUNK)]

        @pl.when(c == 0)
        def _():
            pltpu.async_copy(m0_hbm.at[idx], rows[b], gsems[b])

        @pl.when(c == 1)
        def _():
            pltpu.async_copy(m1_hbm.at[idx], rows[b], gsems[b])

    def gwait(b):
        pltpu.make_async_copy(
            m0_hbm.at[sidx.at[pl.ds(0, CHUNK)]], rows[b], gsems[b]).wait()

    def scatter(k, b):
        idx = didx.at[pl.ds(k * CHUNK, CHUNK)]
        pltpu.async_copy(rows[b], acc.at[idx], ssems[b], add=True)

    def swait(b):
        pltpu.make_async_copy(
            rows[b], acc.at[didx.at[pl.ds(0, CHUNK)]], ssems[b]).wait()

    for b in range(DEPTH):
        gather(b, b)

    def body(j, carry):
        k0 = DEPTH * j
        for b in range(DEPTH):
            gwait(b)
            scatter(k0 + b, b)

            @pl.when(j < NCHUNK // DEPTH - 1)
            def _():
                swait(b)
                gather(k0 + DEPTH + b, b)

        return carry

    lax.fori_loop(0, NCHUNK // DEPTH, body, 0)
    for b in range(DEPTH):
        swait(b)
    plsc.subcore_barrier()

    stripe = pl.ds(row0, ROWS_PER_TILE)

    @pl.when(c == 0)
    def _():
        pltpu.sync_copy(acc.at[stripe], out0_hbm.at[stripe])

    @pl.when(c == 1)
    def _():
        pltpu.sync_copy(acc.at[stripe], out1_hbm.at[stripe])


def kernel(node_embed, edge_index, weight, w_ih, w_hh, b_ih, b_hh):
    src = edge_index[0].astype(jnp.int32)
    dst = edge_index[1].astype(jnp.int32)
    pad = EPT_PAD - EDGES_PER_TILE
    src_flat = jnp.pad(src.reshape(NS, EDGES_PER_TILE), ((0, 0), (0, pad)),
                       constant_values=0).reshape(NS * EPT_PAD)
    dst_flat = jnp.pad(dst.reshape(NS, EDGES_PER_TILE), ((0, 0), (0, pad)),
                       constant_values=NPAD - 1).reshape(NS * EPT_PAD)

    whhT = w_hh.T.astype(jnp.bfloat16)
    wihT = w_ih.T.astype(jnp.bfloat16)
    bh = b_hh.reshape(1, G)
    bi = b_ih.reshape(1, G)
    zeros = jnp.zeros((ROWS_PER_TILE, HH), jnp.float32)

    x = node_embed
    for i in range(L):
        m0, m1 = _matmul_a(x, weight[i].astype(jnp.bfloat16))
        agg0, agg1 = _make_sc_segsum()(m0, m1, src_flat, dst_flat, zeros)
        x = _gru(agg0, agg1, wihT, whhT, bi, bh, x,
                 node_embed if i == L - 1 else None)
    return x

# --- scband reference (transcript-rebuilt; emitter-appended) ---
"""Pipeline reference for scband-gated-graph-residual-block-59425167507916 (READ-ONLY COPY).

The authoritative reference and input builder live on the scoring server;
editing this copy changes nothing except your own understanding.
"""

import jax, jax.numpy as jnp
import numpy as np

N = 10000
E = 160000
H = 256
L = 3


def setup_inputs(seed: int = 0) -> dict:
    key = jax.random.key(seed)
    ks = jax.random.split(key, 8)
    node_embed = jax.random.normal(ks[0], (N, H), dtype=jnp.float32)
    edge_index = jax.random.randint(ks[1], (2, E), 0, N, dtype=jnp.int32).astype(jnp.int64)
    scale = 1.0 / np.sqrt(H)
    # GatedGraphConv per-layer message weights: [L, H, H]
    weight = jax.random.normal(ks[2], (L, H, H), dtype=jnp.float32) * scale
    # Shared GRUCell parameters (input size H, hidden size H)
    w_ih = jax.random.normal(ks[3], (3 * H, H), dtype=jnp.float32) * scale
    w_hh = jax.random.normal(ks[4], (3 * H, H), dtype=jnp.float32) * scale
    b_ih = jax.random.normal(ks[5], (3 * H,), dtype=jnp.float32) * 0.01
    b_hh = jax.random.normal(ks[6], (3 * H,), dtype=jnp.float32) * 0.01
    return {
        "node_embed": node_embed,
        "edge_index": edge_index,
        "weight": weight,
        "w_ih": w_ih,
        "w_hh": w_hh,
        "b_ih": b_ih,
        "b_hh": b_hh,
    }


def _gru_cell(m, h, w_ih, w_hh, b_ih, b_hh):
    gi = m @ w_ih.T + b_ih
    gh = h @ w_hh.T + b_hh
    i_r, i_z, i_n = jnp.split(gi, 3, axis=-1)
    h_r, h_z, h_n = jnp.split(gh, 3, axis=-1)
    r = jax.nn.sigmoid(i_r + h_r)
    z = jax.nn.sigmoid(i_z + h_z)
    n = jnp.tanh(i_n + r * h_n)
    return (1.0 - z) * n + z * h


def reference(node_embed, edge_index, weight, w_ih, w_hh, b_ih, b_hh):
    src = edge_index[0]
    dst = edge_index[1]
    x = node_embed
    for i in range(L):
        m = x @ weight[i]
        # message = m[src], aggregate sum at dst (source_to_target flow)
        agg = jax.ops.segment_sum(jnp.take(m, src, axis=0), dst, num_segments=N)
        x = _gru_cell(agg, x, w_ih, w_hh, b_ih, b_hh)
    # residual connection
    return x + node_embed

if __name__ == "__main__":
    import jax
    _d = setup_inputs()
    print(jax.jit(kernel)(*tuple(_d.values())))

</pallas_src>

<mosaic_0001>
#map = affine_map<(d0, d1) -> (0, 0)>
#map1 = affine_map<(d0, d1) -> (0)>
module attributes {stable_mosaic.version = 14 : i64} {
  func.func @_sc_segsum_body(%arg0: i32, %arg1: i32, %arg2: memref<10000x128xf32, #tpu.memory_space<hbm>>, %arg3: memref<10000x128xf32, #tpu.memory_space<hbm>>, %arg4: memref<163840xi32, #tpu.memory_space<hbm>>, %arg5: memref<163840xi32, #tpu.memory_space<hbm>>, %arg6: memref<640x128xf32, #tpu.memory_space<hbm>>, %arg7: memref<10240x128xf32, #tpu.memory_space<hbm>>, %arg8: memref<10240x128xf32, #tpu.memory_space<hbm>>, %arg9: memref<10240xi32, #tpu.memory_space<vmem>>, %arg10: memref<10240xi32, #tpu.memory_space<vmem>>, %arg11: memref<64x128xf32, #tpu.memory_space<vmem>>, %arg12: memref<64x128xf32, #tpu.memory_space<vmem>>, %arg13: memref<64x128xf32, #tpu.memory_space<vmem>>, %arg14: memref<10240x128xf32, #tpu.memory_space<vmem_shared>>, %arg15: memref<!tpu.dma_semaphore, #tpu.memory_space<semaphore_mem>>, %arg16: memref<!tpu.dma_semaphore, #tpu.memory_space<semaphore_mem>>, %arg17: memref<!tpu.dma_semaphore, #tpu.memory_space<semaphore_mem>>, %arg18: memref<!tpu.dma_semaphore, #tpu.memory_space<semaphore_mem>>, %arg19: memref<!tpu.dma_semaphore, #tpu.memory_space<semaphore_mem>>, %arg20: memref<!tpu.dma_semaphore, #tpu.memory_space<semaphore_mem>>) attributes {dimension_semantics = [#tpu.dimension_semantics<core_parallel>, #tpu.dimension_semantics<subcore_parallel>], iteration_bounds = array<i64: 2, 16>, scalar_prefetch = 0 : i64, scratch_operands = 12 : i64, tpu.core_type = #tpu.core_type<sc_vector_subcore>, window_params = [{transform_indices = #map}, {transform_indices = #map}, {transform_indices = #map1}, {transform_indices = #map1}, {transform_indices = #map}, {transform_indices = #map}, {transform_indices = #map}]} {
    %mul3A = arith.constant 640 : i32
    %mul3A_0 = arith.muli %arg1, %mul3A : i32
    "tpu.region"() ({
      %run_scoped3A = tpu.sem_alloc : memref<!tpu.dma_semaphore, #tpu.memory_space<semaphore_mem>>
      %dma_start3A = arith.constant 0 : i32
      %dma_start3A_60 = tpu.memref_slice %arg14[%mul3A_0, %dma_start3A] : memref<10240x128xf32, #tpu.memory_space<vmem_shared>> -> memref<640x128xf32, #tpu.memory_space<vmem_shared>>
      tpu.enqueue_dma source(%arg6 : memref<640x128xf32, #tpu.memory_space<hbm>>) target(%dma_start3A_60 : memref<640x128xf32, #tpu.memory_space<vmem_shared>>) target_semaphore(%run_scoped3A : memref<!tpu.dma_semaphore, #tpu.memory_space<semaphore_mem>>)
      %dma_wait3A_61 = arith.constant 0 : i32
      %dma_wait3A_62 = tpu.memref_slice %arg14[%mul3A_0, %dma_wait3A_61] : memref<10240x128xf32, #tpu.memory_space<vmem_shared>> -> memref<640x128xf32, #tpu.memory_space<vmem_shared>>
      tpu.wait_dma2 semaphore(%run_scoped3A : memref<!tpu.dma_semaphore, #tpu.memory_space<semaphore_mem>>) src(%arg6 : memref<640x128xf32, #tpu.memory_space<hbm>>) dst(%dma_wait3A_62 : memref<640x128xf32, #tpu.memory_space<vmem_shared>>)
      tpu.yield
    }) : () -> ()
    %mul3A_1 = arith.constant 10240 : i32
    %mul3A_2 = arith.muli %arg1, %mul3A_1 : i32
    %multiple_of3A = tpu.assume_multiple %mul3A_2, 8 : i32
    "tpu.region"() ({
      %run_scoped3A = tpu.sem_alloc : memref<!tpu.dma_semaphore, #tpu.memory_space<semaphore_mem>>
      %dma_start3A = tpu.memref_slice %arg4[%multiple_of3A] : memref<163840xi32, #tpu.memory_space<hbm>> -> memref<10240xi32, #tpu.memory_space<hbm>>
      %dma_start3A_60 = tpu.memref_slice %arg4[%multiple_of3A] : memref<163840xi32, #tpu.memory_space<hbm>> -> memref<10240xi32, #tpu.memory_space<hbm>>
      tpu.enqueue_dma source(%dma_start3A_60 : memref<10240xi32, #tpu.memory_space<hbm>>) target(%arg9 : memref<10240xi32, #tpu.memory_space<vmem>>) target_semaphore(%run_scoped3A : memref<!tpu.dma_semaphore, #tpu.memory_space<semaphore_mem>>)
      %dma_wait3A_61 = tpu.memref_slice %arg4[%multiple_of3A] : memref<163840xi32, #tpu.memory_space<hbm>> -> memref<10240xi32, #tpu.memory_space<hbm>>
      %dma_wait3A_62 = tpu.memref_slice %arg4[%multiple_of3A] : memref<163840xi32, #tpu.memory_space<hbm>> -> memref<10240xi32, #tpu.memory_space<hbm>>
      tpu.wait_dma2 semaphore(%run_scoped3A : memref<!tpu.dma_semaphore, #tpu.memory_space<semaphore_mem>>) src(%dma_wait3A_62 : memref<10240xi32, #tpu.memory_space<hbm>>) dst(%arg9 : memref<10240xi32, #tpu.memory_space<vmem>>)
      tpu.yield
    }) : () -> ()
    "tpu.region"() ({
      %run_scoped3A = tpu.sem_alloc : memref<!tpu.dma_semaphore, #tpu.memory_space<semaphore_mem>>
      %dma_start3A = tpu.memref_slice %arg5[%multiple_of3A] : memref<163840xi32, #tpu.memory_space<hbm>> -> memref<10240xi32, #tpu.memory_space<hbm>>
      %dma_start3A_60 = tpu.memref_slice %arg5[%multiple_of3A] : memref<163840xi32, #tpu.memory_space<hbm>> -> memref<10240xi32, #tpu.memory_space<hbm>>
      tpu.enqueue_dma source(%dma_start3A_60 : memref<10240xi32, #tpu.memory_space<hbm>>) target(%arg10 : memref<10240xi32, #tpu.memory_space<vmem>>) target_semaphore(%run_scoped3A : memref<!tpu.dma_semaphore, #tpu.memory_space<semaphore_mem>>)
      %dma_wait3A_61 = tpu.memref_slice %arg5[%multiple_of3A] : memref<163840xi32, #tpu.memory_space<hbm>> -> memref<10240xi32, #tpu.memory_space<hbm>>
      %dma_wait3A_62 = tpu.memref_slice %arg5[%multiple_of3A] : memref<163840xi32, #tpu.memory_space<hbm>> -> memref<10240xi32, #tpu.memory_space<hbm>>
      tpu.wait_dma2 semaphore(%run_scoped3A : memref<!tpu.dma_semaphore, #tpu.memory_space<semaphore_mem>>) src(%dma_wait3A_62 : memref<10240xi32, #tpu.memory_space<hbm>>) dst(%arg10 : memref<10240xi32, #tpu.memory_space<vmem>>)
      tpu.yield
    }) : () -> ()
    %barrier3A = arith.constant 0 : index
    tpu.barrier barrier_id(%barrier3A)
    %eq3A = arith.constant 0 : i32
    %eq3A_3 = arith.cmpi eq, %arg0, %eq3A : i32
    %convert_element_type3A = arith.extui %eq3A_3 : i1 to i32
    %cond3A = arith.constant 0 : i32
    %cond3A_4 = arith.cmpi ne, %convert_element_type3A, %cond3A : i32
    scf.if %cond3A_4 {
      %dma_start3A = arith.constant 0 : i32
      %dma_start3A_60 = tpu.memref_slice %arg9[%dma_start3A] : memref<10240xi32, #tpu.memory_space<vmem>> -> memref<64xi32, #tpu.memory_space<vmem>>
      %dma_start3A_61 = arith.constant 0 : i32
      %dma_start3A_62 = arith.constant 0 : i32
      %dma_start3A_63 = tpu.memref_slice %arg2[%dma_start3A_61, %dma_start3A_62] : memref<10000x128xf32, #tpu.memory_space<hbm>> -> memref<10000x128xf32, #tpu.memory_space<hbm>>
      tpu.enqueue_indirect_dma source(%dma_start3A_63 : memref<10000x128xf32, #tpu.memory_space<hbm>>) target(%arg11 : memref<64x128xf32, #tpu.memory_space<vmem>>) offsets(%dma_start3A_60 : memref<64xi32, #tpu.memory_space<vmem>>) semaphore(%arg15 : memref<!tpu.dma_semaphore, #tpu.memory_space<semaphore_mem>>)
    } else {
    }
    %eq3A_5 = arith.constant 1 : i32
    %eq3A_6 = arith.cmpi eq, %arg0, %eq3A_5 : i32
    %convert_element_type3A_7 = arith.extui %eq3A_6 : i1 to i32
    %cond3A_8 = arith.constant 0 : i32
    %cond3A_9 = arith.cmpi ne, %convert_element_type3A_7, %cond3A_8 : i32
    scf.if %cond3A_9 {
      %dma_start3A = arith.constant 0 : i32
      %dma_start3A_60 = tpu.memref_slice %arg9[%dma_start3A] : memref<10240xi32, #tpu.memory_space<vmem>> -> memref<64xi32, #tpu.memory_space<vmem>>
      %dma_start3A_61 = arith.constant 0 : i32
      %dma_start3A_62 = arith.constant 0 : i32
      %dma_start3A_63 = tpu.memref_slice %arg3[%dma_start3A_61, %dma_start3A_62] : memref<10000x128xf32, #tpu.memory_space<hbm>> -> memref<10000x128xf32, #tpu.memory_space<hbm>>
      tpu.enqueue_indirect_dma source(%dma_start3A_63 : memref<10000x128xf32, #tpu.memory_space<hbm>>) target(%arg11 : memref<64x128xf32, #tpu.memory_space<vmem>>) offsets(%dma_start3A_60 : memref<64xi32, #tpu.memory_space<vmem>>) semaphore(%arg15 : memref<!tpu.dma_semaphore, #tpu.memory_space<semaphore_mem>>)
    } else {
    }
    %eq3A_10 = arith.constant 0 : i32
    %eq3A_11 = arith.cmpi eq, %arg0, %eq3A_10 : i32
    %convert_element_type3A_12 = arith.extui %eq3A_11 : i1 to i32
    %cond3A_13 = arith.constant 0 : i32
    %cond3A_14 = arith.cmpi ne, %convert_element_type3A_12, %cond3A_13 : i32
    scf.if %cond3A_14 {
      %dma_start3A = arith.constant 64 : i32
      %dma_start3A_60 = tpu.memref_slice %arg9[%dma_start3A] : memref<10240xi32, #tpu.memory_space<vmem>> -> memref<64xi32, #tpu.memory_space<vmem>>
      %dma_start3A_61 = arith.constant 0 : i32
      %dma_start3A_62 = arith.constant 0 : i32
      %dma_start3A_63 = tpu.memref_slice %arg2[%dma_start3A_61, %dma_start3A_62] : memref<10000x128xf32, #tpu.memory_space<hbm>> -> memref<10000x128xf32, #tpu.memory_space<hbm>>
      tpu.enqueue_indirect_dma source(%dma_start3A_63 : memref<10000x128xf32, #tpu.memory_space<hbm>>) target(%arg12 : memref<64x128xf32, #tpu.memory_space<vmem>>) offsets(%dma_start3A_60 : memref<64xi32, #tpu.memory_space<vmem>>) semaphore(%arg16 : memref<!tpu.dma_semaphore, #tpu.memory_space<semaphore_mem>>)
    } else {
    }
    %eq3A_15 = arith.constant 1 : i32
    %eq3A_16 = arith.cmpi eq, %arg0, %eq3A_15 : i32
    %convert_element_type3A_17 = arith.extui %eq3A_16 : i1 to i32
    %cond3A_18 = arith.constant 0 : i32
    %cond3A_19 = arith.cmpi ne, %convert_element_type3A_17, %cond3A_18 : i32
    scf.if %cond3A_19 {
      %dma_start3A = arith.constant 64 : i32
      %dma_start3A_60 = tpu.memref_slice %arg9[%dma_start3A] : memref<10240xi32, #tpu.memory_space<vmem>> -> memref<64xi32, #tpu.memory_space<vmem>>
      %dma_start3A_61 = arith.constant 0 : i32
      %dma_start3A_62 = arith.constant 0 : i32
      %dma_start3A_63 = tpu.memref_slice %arg3[%dma_start3A_61, %dma_start3A_62] : memref<10000x128xf32, #tpu.memory_space<hbm>> -> memref<10000x128xf32, #tpu.memory_space<hbm>>
      tpu.enqueue_indirect_dma source(%dma_start3A_63 : memref<10000x128xf32, #tpu.memory_space<hbm>>) target(%arg12 : memref<64x128xf32, #tpu.memory_space<vmem>>) offsets(%dma_start3A_60 : memref<64xi32, #tpu.memory_space<vmem>>) semaphore(%arg16 : memref<!tpu.dma_semaphore, #tpu.memory_space<semaphore_mem>>)
    } else {
    }
    %eq3A_20 = arith.constant 0 : i32
    %eq3A_21 = arith.cmpi eq, %arg0, %eq3A_20 : i32
    %convert_element_type3A_22 = arith.extui %eq3A_21 : i1 to i32
    %cond3A_23 = arith.constant 0 : i32
    %cond3A_24 = arith.cmpi ne, %convert_element_type3A_22, %cond3A_23 : i32
    scf.if %cond3A_24 {
      %dma_start3A = arith.constant 128 : i32
      %dma_start3A_60 = tpu.memref_slice %arg9[%dma_start3A] : memref<10240xi32, #tpu.memory_space<vmem>> -> memref<64xi32, #tpu.memory_space<vmem>>
      %dma_start3A_61 = arith.constant 0 : i32
      %dma_start3A_62 = arith.constant 0 : i32
      %dma_start3A_63 = tpu.memref_slice %arg2[%dma_start3A_61, %dma_start3A_62] : memref<10000x128xf32, #tpu.memory_space<hbm>> -> memref<10000x128xf32, #tpu.memory_space<hbm>>
      tpu.enqueue_indirect_dma source(%dma_start3A_63 : memref<10000x128xf32, #tpu.memory_space<hbm>>) target(%arg13 : memref<64x128xf32, #tpu.memory_space<vmem>>) offsets(%dma_start3A_60 : memref<64xi32, #tpu.memory_space<vmem>>) semaphore(%arg17 : memref<!tpu.dma_semaphore, #tpu.memory_space<semaphore_mem>>)
    } else {
    }
    %eq3A_25 = arith.constant 1 : i32
    %eq3A_26 = arith.cmpi eq, %arg0, %eq3A_25 : i32
    %convert_element_type3A_27 = arith.extui %eq3A_26 : i1 to i32
    %cond3A_28 = arith.constant 0 : i32
    %cond3A_29 = arith.cmpi ne, %convert_element_type3A_27, %cond3A_28 : i32
    scf.if %cond3A_29 {
      %dma_start3A = arith.constant 128 : i32
      %dma_start3A_60 = tpu.memref_slice %arg9[%dma_start3A] : memref<10240xi32, #tpu.memory_space<vmem>> -> memref<64xi32, #tpu.memory_space<vmem>>
      %dma_start3A_61 = arith.constant 0 : i32
      %dma_start3A_62 = arith.constant 0 : i32
      %dma_start3A_63 = tpu.memref_slice %arg3[%dma_start3A_61, %dma_start3A_62] : memref<10000x128xf32, #tpu.memory_space<hbm>> -> memref<10000x128xf32, #tpu.memory_space<hbm>>
      tpu.enqueue_indirect_dma source(%dma_start3A_63 : memref<10000x128xf32, #tpu.memory_space<hbm>>) target(%arg13 : memref<64x128xf32, #tpu.memory_space<vmem>>) offsets(%dma_start3A_60 : memref<64xi32, #tpu.memory_space<vmem>>) semaphore(%arg17 : memref<!tpu.dma_semaphore, #tpu.memory_space<semaphore_mem>>)
    } else {
    }
    %scan3A = arith.constant 0 : i32
    %scan3A_30 = arith.constant 0 : i32
    %scan3A_31 = arith.constant 53 : i32
    %scan3A_32 = arith.addi %scan3A_30, %scan3A_31 : i32
    %scan3A_33 = arith.constant 1 : i32
    scf.for %scan3A_60 = %scan3A_30 to %scan3A_32 step %scan3A_33  : i32 {
      %mul3A_61 = arith.constant 3 : i32
      %mul3A_62 = arith.muli %mul3A_61, %scan3A_60 : i32
      %dma_wait3A_63 = arith.constant 0 : i32
      %dma_wait3A_64 = tpu.memref_slice %arg9[%dma_wait3A_63] : memref<10240xi32, #tpu.memory_space<vmem>> -> memref<64xi32, #tpu.memory_space<vmem>>
      %dma_wait3A_65 = arith.constant 0 : i32
      %dma_wait3A_66 = arith.constant 0 : i32
      %dma_wait3A_67 = tpu.memref_slice %arg2[%dma_wait3A_65, %dma_wait3A_66] : memref<10000x128xf32, #tpu.memory_space<hbm>> -> memref<10000x128xf32, #tpu.memory_space<hbm>>
      tpu.wait_indirect_dma semaphore(%arg15 : memref<!tpu.dma_semaphore, #tpu.memory_space<semaphore_mem>>) src(%dma_wait3A_67 : memref<10000x128xf32, #tpu.memory_space<hbm>>) dst(%arg11 : memref<64x128xf32, #tpu.memory_space<vmem>>)
      %add3A = arith.constant 0 : i32
      %add3A_68 = arith.addi %mul3A_62, %add3A : i32
      %mul3A_69 = arith.constant 64 : i32
      %mul3A_70 = arith.muli %add3A_68, %mul3A_69 : i32
      %dma_start3A = tpu.memref_slice %arg10[%mul3A_70] : memref<10240xi32, #tpu.memory_space<vmem>> -> memref<64xi32, #tpu.memory_space<vmem>>
      %dma_start3A_71 = arith.constant 0 : i32
      %dma_start3A_72 = arith.constant 0 : i32
      %dma_start3A_73 = tpu.memref_slice %arg14[%dma_start3A_71, %dma_start3A_72] : memref<10240x128xf32, #tpu.memory_space<vmem_shared>> -> memref<10240x128xf32, #tpu.memory_space<vmem_shared>>
      tpu.enqueue_indirect_dma source(%arg11 : memref<64x128xf32, #tpu.memory_space<vmem>>) target(%dma_start3A_73 : memref<10240x128xf32, #tpu.memory_space<vmem_shared>>) offsets(%dma_start3A : memref<64xi32, #tpu.memory_space<vmem>>) semaphore(%arg18 : memref<!tpu.dma_semaphore, #tpu.memory_space<semaphore_mem>>) {add = true}
      %lt3A = arith.constant 52 : i32
      %lt3A_74 = arith.cmpi slt, %scan3A_60, %lt3A : i32
      %convert_element_type3A_75 = arith.extui %lt3A_74 : i1 to i32
      %cond3A_76 = arith.constant 0 : i32
      %cond3A_77 = arith.cmpi ne, %convert_element_type3A_75, %cond3A_76 : i32
      scf.if %cond3A_77 {
        %dma_wait3A_114 = arith.constant 0 : i32
        %dma_wait3A_115 = tpu.memref_slice %arg10[%dma_wait3A_114] : memref<10240xi32, #tpu.memory_space<vmem>> -> memref<64xi32, #tpu.memory_space<vmem>>
        %dma_wait3A_116 = arith.constant 0 : i32
        %dma_wait3A_117 = arith.constant 0 : i32
        %dma_wait3A_118 = tpu.memref_slice %arg14[%dma_wait3A_116, %dma_wait3A_117] : memref<10240x128xf32, #tpu.memory_space<vmem_shared>> -> memref<10240x128xf32, #tpu.memory_space<vmem_shared>>
        tpu.wait_indirect_dma semaphore(%arg18 : memref<!tpu.dma_semaphore, #tpu.memory_space<semaphore_mem>>) src(%arg11 : memref<64x128xf32, #tpu.memory_space<vmem>>) dst(%dma_wait3A_118 : memref<10240x128xf32, #tpu.memory_space<vmem_shared>>)
        %add3A_119 = arith.constant 3 : i32
        %add3A_120 = arith.addi %mul3A_62, %add3A_119 : i32
        %add3A_121 = arith.constant 0 : i32
        %add3A_122 = arith.addi %add3A_120, %add3A_121 : i32
        %mul3A_123 = arith.constant 64 : i32
        %mul3A_124 = arith.muli %add3A_122, %mul3A_123 : i32
        %eq3A_125 = arith.constant 0 : i32
        %eq3A_126 = arith.cmpi eq, %arg0, %eq3A_125 : i32
        %convert_element_type3A_127 = arith.extui %eq3A_126 : i1 to i32
        %cond3A_128 = arith.constant 0 : i32
        %cond3A_129 = arith.cmpi ne, %convert_element_type3A_127, %cond3A_128 : i32
        scf.if %cond3A_129 {
          %dma_start3A_135 = tpu.memref_slice %arg9[%mul3A_124] : memref<10240xi32, #tpu.memory_space<vmem>> -> memref<64xi32, #tpu.memory_space<vmem>>
          %dma_start3A_136 = arith.constant 0 : i32
          %dma_start3A_137 = arith.constant 0 : i32
          %dma_start3A_138 = tpu.memref_slice %arg2[%dma_start3A_136, %dma_start3A_137] : memref<10000x128xf32, #tpu.memory_space<hbm>> -> memref<10000x128xf32, #tpu.memory_space<hbm>>
          tpu.enqueue_indirect_dma source(%dma_start3A_138 : memref<10000x128xf32, #tpu.memory_space<hbm>>) target(%arg11 : memref<64x128xf32, #tpu.memory_space<vmem>>) offsets(%dma_start3A_135 : memref<64xi32, #tpu.memory_space<vmem>>) semaphore(%arg15 : memref<!tpu.dma_semaphore, #tpu.memory_space<semaphore_mem>>)
        } else {
        }
        %eq3A_130 = arith.constant 1 : i32
        %eq3A_131 = arith.cmpi eq, %arg0, %eq3A_130 : i32
        %convert_element_type3A_132 = arith.extui %eq3A_131 : i1 to i32
        %cond3A_133 = arith.constant 0 : i32
        %cond3A_134 = arith.cmpi ne, %convert_element_type3A_132, %cond3A_133 : i32
        scf.if %cond3A_134 {
          %dma_start3A_135 = tpu.memref_slice %arg9[%mul3A_124] : memref<10240xi32, #tpu.memory_space<vmem>> -> memref<64xi32, #tpu.memory_space<vmem>>
          %dma_start3A_136 = arith.constant 0 : i32
          %dma_start3A_137 = arith.constant 0 : i32
          %dma_start3A_138 = tpu.memref_slice %arg3[%dma_start3A_136, %dma_start3A_137] : memref<10000x128xf32, #tpu.memory_space<hbm>> -> memref<10000x128xf32, #tpu.memory_space<hbm>>
          tpu.enqueue_indirect_dma source(%dma_start3A_138 : memref<10000x128xf32, #tpu.memory_space<hbm>>) target(%arg11 : memref<64x128xf32, #tpu.memory_space<vmem>>) offsets(%dma_start3A_135 : memref<64xi32, #tpu.memory_space<vmem>>) semaphore(%arg15 : memref<!tpu.dma_semaphore, #tpu.memory_space<semaphore_mem>>)
        } else {
        }
      } else {
      }
      %dma_wait3A_78 = arith.constant 0 : i32
      %dma_wait3A_79 = tpu.memref_slice %arg9[%dma_wait3A_78] : memref<10240xi32, #tpu.memory_space<vmem>> -> memref<64xi32, #tpu.memory_space<vmem>>
      %dma_wait3A_80 = arith.constant 0 : i32
      %dma_wait3A_81 = arith.constant 0 : i32
      %dma_wait3A_82 = tpu.memref_slice %arg2[%dma_wait3A_80, %dma_wait3A_81] : memref<10000x128xf32, #tpu.memory_space<hbm>> -> memref<10000x128xf32, #tpu.memory_space<hbm>>
      tpu.wait_indirect_dma semaphore(%arg16 : memref<!tpu.dma_semaphore, #tpu.memory_space<semaphore_mem>>) src(%dma_wait3A_82 : memref<10000x128xf32, #tpu.memory_space<hbm>>) dst(%arg12 : memref<64x128xf32, #tpu.memory_space<vmem>>)
      %add3A_83 = arith.constant 1 : i32
      %add3A_84 = arith.addi %mul3A_62, %add3A_83 : i32
      %mul3A_85 = arith.constant 64 : i32
      %mul3A_86 = arith.muli %add3A_84, %mul3A_85 : i32
      %dma_start3A_87 = tpu.memref_slice %arg10[%mul3A_86] : memref<10240xi32, #tpu.memory_space<vmem>> -> memref<64xi32, #tpu.memory_space<vmem>>
      %dma_start3A_88 = arith.constant 0 : i32
      %dma_start3A_89 = arith.constant 0 : i32
      %dma_start3A_90 = tpu.memref_slice %arg14[%dma_start3A_88, %dma_start3A_89] : memref<10240x128xf32, #tpu.memory_space<vmem_shared>> -> memref<10240x128xf32, #tpu.memory_space<vmem_shared>>
      tpu.enqueue_indirect_dma source(%arg12 : memref<64x128xf32, #tpu.memory_space<vmem>>) target(%dma_start3A_90 : memref<10240x128xf32, #tpu.memory_space<vmem_shared>>) offsets(%dma_start3A_87 : memref<64xi32, #tpu.memory_space<vmem>>) semaphore(%arg19 : memref<!tpu.dma_semaphore, #tpu.memory_space<semaphore_mem>>) {add = true}
      %lt3A_91 = arith.constant 52 : i32
      %lt3A_92 = arith.cmpi slt, %scan3A_60, %lt3A_91 : i32
      %convert_element_type3A_93 = arith.extui %lt3A_92 : i1 to i32
      %cond3A_94 = arith.constant 0 : i32
      %cond3A_95 = arith.cmpi ne, %convert_element_type3A_93, %cond3A_94 : i32
      scf.if %cond3A_95 {
        %dma_wait3A_114 = arith.constant 0 : i32
        %dma_wait3A_115 = tpu.memref_slice %arg10[%dma_wait3A_114] : memref<10240xi32, #tpu.memory_space<vmem>> -> memref<64xi32, #tpu.memory_space<vmem>>
        %dma_wait3A_116 = arith.constant 0 : i32
        %dma_wait3A_117 = arith.constant 0 : i32
        %dma_wait3A_118 = tpu.memref_slice %arg14[%dma_wait3A_116, %dma_wait3A_117] : memref<10240x128xf32, #tpu.memory_space<vmem_shared>> -> memref<10240x128xf32, #tpu.memory_space<vmem_shared>>
        tpu.wait_indirect_dma semaphore(%arg19 : memref<!tpu.dma_semaphore, #tpu.memory_space<semaphore_mem>>) src(%arg12 : memref<64x128xf32, #tpu.memory_space<vmem>>) dst(%dma_wait3A_118 : memref<10240x128xf32, #tpu.memory_space<vmem_shared>>)
        %add3A_119 = arith.constant 3 : i32
        %add3A_120 = arith.addi %mul3A_62, %add3A_119 : i32
        %add3A_121 = arith.constant 1 : i32
        %add3A_122 = arith.addi %add3A_120, %add3A_121 : i32
        %mul3A_123 = arith.constant 64 : i32
        %mul3A_124 = arith.muli %add3A_122, %mul3A_123 : i32
        %eq3A_125 = arith.constant 0 : i32
        %eq3A_126 = arith.cmpi eq, %arg0, %eq3A_125 : i32
        %convert_element_type3A_127 = arith.extui %eq3A_126 : i1 to i32
        %cond3A_128 = arith.constant 0 : i32
        %cond3A_129 = arith.cmpi ne, %convert_element_type3A_127, %cond3A_128 : i32
        scf.if %cond3A_129 {
          %dma_start3A_135 = tpu.memref_slice %arg9[%mul3A_124] : memref<10240xi32, #tpu.memory_space<vmem>> -> memref<64xi32, #tpu.memory_space<vmem>>
          %dma_start3A_136 = arith.constant 0 : i32
          %dma_start3A_137 = arith.constant 0 : i32
          %dma_start3A_138 = tpu.memref_slice %arg2[%dma_start3A_136, %dma_start3A_137] : memref<10000x128xf32, #tpu.memory_space<hbm>> -> memref<10000x128xf32, #tpu.memory_space<hbm>>
          tpu.enqueue_indirect_dma source(%dma_start3A_138 : memref<10000x128xf32, #tpu.memory_space<hbm>>) target(%arg12 : memref<64x128xf32, #tpu.memory_space<vmem>>) offsets(%dma_start3A_135 : memref<64xi32, #tpu.memory_space<vmem>>) semaphore(%arg16 : memref<!tpu.dma_semaphore, #tpu.memory_space<semaphore_mem>>)
        } else {
        }
        %eq3A_130 = arith.constant 1 : i32
        %eq3A_131 = arith.cmpi eq, %arg0, %eq3A_130 : i32
        %convert_element_type3A_132 = arith.extui %eq3A_131 : i1 to i32
        %cond3A_133 = arith.constant 0 : i32
        %cond3A_134 = arith.cmpi ne, %convert_element_type3A_132, %cond3A_133 : i32
        scf.if %cond3A_134 {
          %dma_start3A_135 = tpu.memref_slice %arg9[%mul3A_124] : memref<10240xi32, #tpu.memory_space<vmem>> -> memref<64xi32, #tpu.memory_space<vmem>>
          %dma_start3A_136 = arith.constant 0 : i32
          %dma_start3A_137 = arith.constant 0 : i32
          %dma_start3A_138 = tpu.memref_slice %arg3[%dma_start3A_136, %dma_start3A_137] : memref<10000x128xf32, #tpu.memory_space<hbm>> -> memref<10000x128xf32, #tpu.memory_space<hbm>>
          tpu.enqueue_indirect_dma source(%dma_start3A_138 : memref<10000x128xf32, #tpu.memory_space<hbm>>) target(%arg12 : memref<64x128xf32, #tpu.memory_space<vmem>>) offsets(%dma_start3A_135 : memref<64xi32, #tpu.memory_space<vmem>>) semaphore(%arg16 : memref<!tpu.dma_semaphore, #tpu.memory_space<semaphore_mem>>)
        } else {
        }
      } else {
      }
      %dma_wait3A_96 = arith.constant 0 : i32
      %dma_wait3A_97 = tpu.memref_slice %arg9[%dma_wait3A_96] : memref<10240xi32, #tpu.memory_space<vmem>> -> memref<64xi32, #tpu.memory_space<vmem>>
      %dma_wait3A_98 = arith.constant 0 : i32
      %dma_wait3A_99 = arith.constant 0 : i32
      %dma_wait3A_100 = tpu.memref_slice %arg2[%dma_wait3A_98, %dma_wait3A_99] : memref<10000x128xf32, #tpu.memory_space<hbm>> -> memref<10000x128xf32, #tpu.memory_space<hbm>>
      tpu.wait_indirect_dma semaphore(%arg17 : memref<!tpu.dma_semaphore, #tpu.memory_space<semaphore_mem>>) src(%dma_wait3A_100 : memref<10000x128xf32, #tpu.memory_space<hbm>>) dst(%arg13 : memref<64x128xf32, #tpu.memory_space<vmem>>)
      %add3A_101 = arith.constant 2 : i32
      %add3A_102 = arith.addi %mul3A_62, %add3A_101 : i32
      %mul3A_103 = arith.constant 64 : i32
      %mul3A_104 = arith.muli %add3A_102, %mul3A_103 : i32
      %dma_start3A_105 = tpu.memref_slice %arg10[%mul3A_104] : memref<10240xi32, #tpu.memory_space<vmem>> -> memref<64xi32, #tpu.memory_space<vmem>>
      %dma_start3A_106 = arith.constant 0 : i32
      %dma_start3A_107 = arith.constant 0 : i32
      %dma_start3A_108 = tpu.memref_slice %arg14[%dma_start3A_106, %dma_start3A_107] : memref<10240x128xf32, #tpu.memory_space<vmem_shared>> -> memref<10240x128xf32, #tpu.memory_space<vmem_shared>>
      tpu.enqueue_indirect_dma source(%arg13 : memref<64x128xf32, #tpu.memory_space<vmem>>) target(%dma_start3A_108 : memref<10240x128xf32, #tpu.memory_space<vmem_shared>>) offsets(%dma_start3A_105 : memref<64xi32, #tpu.memory_space<vmem>>) semaphore(%arg20 : memref<!tpu.dma_semaphore, #tpu.memory_space<semaphore_mem>>) {add = true}
      %lt3A_109 = arith.constant 52 : i32
      %lt3A_110 = arith.cmpi slt, %scan3A_60, %lt3A_109 : i32
      %convert_element_type3A_111 = arith.extui %lt3A_110 : i1 to i32
      %cond3A_112 = arith.constant 0 : i32
      %cond3A_113 = arith.cmpi ne, %convert_element_type3A_111, %cond3A_112 : i32
      scf.if %cond3A_113 {
        %dma_wait3A_114 = arith.constant 0 : i32
        %dma_wait3A_115 = tpu.memref_slice %arg10[%dma_wait3A_114] : memref<10240xi32, #tpu.memory_space<vmem>> -> memref<64xi32, #tpu.memory_space<vmem>>
        %dma_wait3A_116 = arith.constant 0 : i32
        %dma_wait3A_117 = arith.constant 0 : i32
        %dma_wait3A_118 = tpu.memref_slice %arg14[%dma_wait3A_116, %dma_wait3A_117] : memref<10240x128xf32, #tpu.memory_space<vmem_shared>> -> memref<10240x128xf32, #tpu.memory_space<vmem_shared>>
        tpu.wait_indirect_dma semaphore(%arg20 : memref<!tpu.dma_semaphore, #tpu.memory_space<semaphore_mem>>) src(%arg13 : memref<64x128xf32, #tpu.memory_space<vmem>>) dst(%dma_wait3A_118 : memref<10240x128xf32, #tpu.memory_space<vmem_shared>>)
        %add3A_119 = arith.constant 3 : i32
        %add3A_120 = arith.addi %mul3A_62, %add3A_119 : i32
        %add3A_121 = arith.constant 2 : i32
        %add3A_122 = arith.addi %add3A_120, %add3A_121 : i32
        %mul3A_123 = arith.constant 64 : i32
        %mul3A_124 = arith.muli %add3A_122, %mul3A_123 : i32
        %eq3A_125 = arith.constant 0 : i32
        %eq3A_126 = arith.cmpi eq, %arg0, %eq3A_125 : i32
        %convert_element_type3A_127 = arith.extui %eq3A_126 : i1 to i32
        %cond3A_128 = arith.constant 0 : i32
        %cond3A_129 = arith.cmpi ne, %convert_element_type3A_127, %cond3A_128 : i32
        scf.if %cond3A_129 {
          %dma_start3A_135 = tpu.memref_slice %arg9[%mul3A_124] : memref<10240xi32, #tpu.memory_space<vmem>> -> memref<64xi32, #tpu.memory_space<vmem>>
          %dma_start3A_136 = arith.constant 0 : i32
          %dma_start3A_137 = arith.constant 0 : i32
          %dma_start3A_138 = tpu.memref_slice %arg2[%dma_start3A_136, %dma_start3A_137] : memref<10000x128xf32, #tpu.memory_space<hbm>> -> memref<10000x128xf32, #tpu.memory_space<hbm>>
          tpu.enqueue_indirect_dma source(%dma_start3A_138 : memref<10000x128xf32, #tpu.memory_space<hbm>>) target(%arg13 : memref<64x128xf32, #tpu.memory_space<vmem>>) offsets(%dma_start3A_135 : memref<64xi32, #tpu.memory_space<vmem>>) semaphore(%arg17 : memref<!tpu.dma_semaphore, #tpu.memory_space<semaphore_mem>>)
        } else {
        }
        %eq3A_130 = arith.constant 1 : i32
        %eq3A_131 = arith.cmpi eq, %arg0, %eq3A_130 : i32
        %convert_element_type3A_132 = arith.extui %eq3A_131 : i1 to i32
        %cond3A_133 = arith.constant 0 : i32
        %cond3A_134 = arith.cmpi ne, %convert_element_type3A_132, %cond3A_133 : i32
        scf.if %cond3A_134 {
          %dma_start3A_135 = tpu.memref_slice %arg9[%mul3A_124] : memref<10240xi32, #tpu.memory_space<vmem>> -> memref<64xi32, #tpu.memory_space<vmem>>
          %dma_start3A_136 = arith.constant 0 : i32
          %dma_start3A_137 = arith.constant 0 : i32
          %dma_start3A_138 = tpu.memref_slice %arg3[%dma_start3A_136, %dma_start3A_137] : memref<10000x128xf32, #tpu.memory_space<hbm>> -> memref<10000x128xf32, #tpu.memory_space<hbm>>
          tpu.enqueue_indirect_dma source(%dma_start3A_138 : memref<10000x128xf32, #tpu.memory_space<hbm>>) target(%arg13 : memref<64x128xf32, #tpu.memory_space<vmem>>) offsets(%dma_start3A_135 : memref<64xi32, #tpu.memory_space<vmem>>) semaphore(%arg17 : memref<!tpu.dma_semaphore, #tpu.memory_space<semaphore_mem>>)
        } else {
        }
      } else {
      }
    }
    %scan3A_34 = arith.constant 53 : i32
    %dma_wait3A = arith.constant 0 : i32
    %dma_wait3A_35 = tpu.memref_slice %arg10[%dma_wait3A] : memref<10240xi32, #tpu.memory_space<vmem>> -> memref<64xi32, #tpu.memory_space<vmem>>
    %dma_wait3A_36 = arith.constant 0 : i32
    %dma_wait3A_37 = arith.constant 0 : i32
    %dma_wait3A_38 = tpu.memref_slice %arg14[%dma_wait3A_36, %dma_wait3A_37] : memref<10240x128xf32, #tpu.memory_space<vmem_shared>> -> memref<10240x128xf32, #tpu.memory_space<vmem_shared>>
    tpu.wait_indirect_dma semaphore(%arg18 : memref<!tpu.dma_semaphore, #tpu.memory_space<semaphore_mem>>) src(%arg11 : memref<64x128xf32, #tpu.memory_space<vmem>>) dst(%dma_wait3A_38 : memref<10240x128xf32, #tpu.memory_space<vmem_shared>>)
    %dma_wait3A_39 = arith.constant 0 : i32
    %dma_wait3A_40 = tpu.memref_slice %arg10[%dma_wait3A_39] : memref<10240xi32, #tpu.memory_space<vmem>> -> memref<64xi32, #tpu.memory_space<vmem>>
    %dma_wait3A_41 = arith.constant 0 : i32
    %dma_wait3A_42 = arith.constant 0 : i32
    %dma_wait3A_43 = tpu.memref_slice %arg14[%dma_wait3A_41, %dma_wait3A_42] : memref<10240x128xf32, #tpu.memory_space<vmem_shared>> -> memref<10240x128xf32, #tpu.memory_space<vmem_shared>>
    tpu.wait_indirect_dma semaphore(%arg19 : memref<!tpu.dma_semaphore, #tpu.memory_space<semaphore_mem>>) src(%arg12 : memref<64x128xf32, #tpu.memory_space<vmem>>) dst(%dma_wait3A_43 : memref<10240x128xf32, #tpu.memory_space<vmem_shared>>)
    %dma_wait3A_44 = arith.constant 0 : i32
    %dma_wait3A_45 = tpu.memref_slice %arg10[%dma_wait3A_44] : memref<10240xi32, #tpu.memory_space<vmem>> -> memref<64xi32, #tpu.memory_space<vmem>>
    %dma_wait3A_46 = arith.constant 0 : i32
    %dma_wait3A_47 = arith.constant 0 : i32
    %dma_wait3A_48 = tpu.memref_slice %arg14[%dma_wait3A_46, %dma_wait3A_47] : memref<10240x128xf32, #tpu.memory_space<vmem_shared>> -> memref<10240x128xf32, #tpu.memory_space<vmem_shared>>
    tpu.wait_indirect_dma semaphore(%arg20 : memref<!tpu.dma_semaphore, #tpu.memory_space<semaphore_mem>>) src(%arg13 : memref<64x128xf32, #tpu.memory_space<vmem>>) dst(%dma_wait3A_48 : memref<10240x128xf32, #tpu.memory_space<vmem_shared>>)
    %barrier3A_49 = arith.constant 0 : index
    tpu.barrier barrier_id(%barrier3A_49)
    %eq3A_50 = arith.constant 0 : i32
    %eq3A_51 = arith.cmpi eq, %arg0, %eq3A_50 : i32
    %convert_element_type3A_52 = arith.extui %eq3A_51 : i1 to i32
    %cond3A_53 = arith.constant 0 : i32
    %cond3A_54 = arith.cmpi ne, %convert_element_type3A_52, %cond3A_53 : i32
    scf.if %cond3A_54 {
      "tpu.region"() ({
        %run_scoped3A = tpu.sem_alloc : memref<!tpu.dma_semaphore, #tpu.memory_space<semaphore_mem>>
        %dma_start3A = arith.constant 0 : i32
        %dma_start3A_60 = tpu.memref_slice %arg7[%mul3A_0, %dma_start3A] : memref<10240x128xf32, #tpu.memory_space<hbm>> -> memref<640x128xf32, #tpu.memory_space<hbm>>
        %dma_start3A_61 = arith.constant 0 : i32
        %dma_start3A_62 = tpu.memref_slice %arg14[%mul3A_0, %dma_start3A_61] : memref<10240x128xf32, #tpu.memory_space<vmem_shared>> -> memref<640x128xf32, #tpu.memory_space<vmem_shared>>
        tpu.enqueue_dma source(%dma_start3A_62 : memref<640x128xf32, #tpu.memory_space<vmem_shared>>) target(%dma_start3A_60 : memref<640x128xf32, #tpu.memory_space<hbm>>) target_semaphore(%run_scoped3A : memref<!tpu.dma_semaphore, #tpu.memory_space<semaphore_mem>>)
        %dma_wait3A_63 = arith.constant 0 : i32
        %dma_wait3A_64 = tpu.memref_slice %arg7[%mul3A_0, %dma_wait3A_63] : memref<10240x128xf32, #tpu.memory_space<hbm>> -> memref<640x128xf32, #tpu.memory_space<hbm>>
        %dma_wait3A_65 = arith.constant 0 : i32
        %dma_wait3A_66 = tpu.memref_slice %arg14[%mul3A_0, %dma_wait3A_65] : memref<10240x128xf32, #tpu.memory_space<vmem_shared>> -> memref<640x128xf32, #tpu.memory_space<vmem_shared>>
        tpu.wait_dma2 semaphore(%run_scoped3A : memref<!tpu.dma_semaphore, #tpu.memory_space<semaphore_mem>>) src(%dma_wait3A_66 : memref<640x128xf32, #tpu.memory_space<vmem_shared>>) dst(%dma_wait3A_64 : memref<640x128xf32, #tpu.memory_space<hbm>>)
        tpu.yield
      }) : () -> ()
    } else {
    }
    %eq3A_55 = arith.constant 1 : i32
    %eq3A_56 = arith.cmpi eq, %arg0, %eq3A_55 : i32
    %convert_element_type3A_57 = arith.extui %eq3A_56 : i1 to i32
    %cond3A_58 = arith.constant 0 : i32
    %cond3A_59 = arith.cmpi ne, %convert_element_type3A_57, %cond3A_58 : i32
    scf.if %cond3A_59 {
      "tpu.region"() ({
        %run_scoped3A = tpu.sem_alloc : memref<!tpu.dma_semaphore, #tpu.memory_space<semaphore_mem>>
        %dma_start3A = arith.constant 0 : i32
        %dma_start3A_60 = tpu.memref_slice %arg8[%mul3A_0, %dma_start3A] : memref<10240x128xf32, #tpu.memory_space<hbm>> -> memref<640x128xf32, #tpu.memory_space<hbm>>
        %dma_start3A_61 = arith.constant 0 : i32
        %dma_start3A_62 = tpu.memref_slice %arg14[%mul3A_0, %dma_start3A_61] : memref<10240x128xf32, #tpu.memory_space<vmem_shared>> -> memref<640x128xf32, #tpu.memory_space<vmem_shared>>
        tpu.enqueue_dma source(%dma_start3A_62 : memref<640x128xf32, #tpu.memory_space<vmem_shared>>) target(%dma_start3A_60 : memref<640x128xf32, #tpu.memory_space<hbm>>) target_semaphore(%run_scoped3A : memref<!tpu.dma_semaphore, #tpu.memory_space<semaphore_mem>>)
        %dma_wait3A_63 = arith.constant 0 : i32
        %dma_wait3A_64 = tpu.memref_slice %arg8[%mul3A_0, %dma_wait3A_63] : memref<10240x128xf32, #tpu.memory_space<hbm>> -> memref<640x128xf32, #tpu.memory_space<hbm>>
        %dma_wait3A_65 = arith.constant 0 : i32
        %dma_wait3A_66 = tpu.memref_slice %arg14[%mul3A_0, %dma_wait3A_65] : memref<10240x128xf32, #tpu.memory_space<vmem_shared>> -> memref<640x128xf32, #tpu.memory_space<vmem_shared>>
        tpu.wait_dma2 semaphore(%run_scoped3A : memref<!tpu.dma_semaphore, #tpu.memory_space<semaphore_mem>>) src(%dma_wait3A_66 : memref<640x128xf32, #tpu.memory_space<vmem_shared>>) dst(%dma_wait3A_64 : memref<640x128xf32, #tpu.memory_space<hbm>>)
        tpu.yield
      }) : () -> ()
    } else {
    }
    return
  }
}

#map = affine_map<(d0, d1) -> (0, 0)>
#map1 = affine_map<(d0, d1) -> (0)>
module attributes {stable_mosaic.version = 14 : i64} {
  func.func @_sc_segsum_body(%arg0: i32, %arg1: i32, %arg2: memref<10000x128xf32, #tpu.memory_space<hbm>>, %arg3: memref<10000x128xf32, #tpu.memory_space<hbm>>, %arg4: memref<163840xi32, #tpu.memory_space<hbm>>, %arg5: memref<163840xi32, #tpu.memory_space<hbm>>, %arg6: memref<640x128xf32, #tpu.memory_space<hbm>>, %arg7: memref<10240x128xf32, #tpu.memory_space<hbm>>, %arg8: memref<10240x128xf32, #tpu.memory_space<hbm>>, %arg9: memref<10240xi32, #tpu.memory_space<vmem>>, %arg10: memref<10240xi32, #tpu.memory_space<vmem>>, %arg11: memref<64x128xf32, #tpu.memory_space<vmem>>, %arg12: memref<64x128xf32, #tpu.memory_space<vmem>>, %arg13: memref<64x128xf32, #tpu.memory_space<vmem>>, %arg14: memref<10240x128xf32, #tpu.memory_space<vmem_shared>>, %arg15: memref<!tpu.dma_semaphore, #tpu.memory_space<semaphore_mem>>, %arg16: memref<!tpu.dma_semaphore, #tpu.memory_space<semaphore_mem>>, %arg17: memref<!tpu.dma_semaphore, #tpu.memory_space<semaphore_mem>>, %arg18: memref<!tpu.dma_semaphore, #tpu.memory_space<semaphore_mem>>, %arg19: memref<!tpu.dma_semaphore, #tpu.memory_space<semaphore_mem>>, %arg20: memref<!tpu.dma_semaphore, #tpu.memory_space<semaphore_mem>>) attributes {dimension_semantics = [#tpu.dimension_semantics<core_parallel>, #tpu.dimension_semantics<subcore_parallel>], iteration_bounds = array<i64: 2, 16>, scalar_prefetch = 0 : i64, scratch_operands = 12 : i64, tpu.core_type = #tpu.core_type<sc_vector_subcore>, window_params = [{transform_indices = #map}, {transform_indices = #map}, {transform_indices = #map1}, {transform_indices = #map1}, {transform_indices = #map}, {transform_indices = #map}, {transform_indices = #map}]} {
    %mul3A = arith.constant 640 : i32
    %mul3A_0 = arith.muli %arg1, %mul3A : i32
    "tpu.region"() ({
      %run_scoped3A = tpu.sem_alloc : memref<!tpu.dma_semaphore, #tpu.memory_space<semaphore_mem>>
      %dma_start3A = arith.constant 0 : i32
      %dma_start3A_60 = tpu.memref_slice %arg14[%mul3A_0, %dma_start3A] : memref<10240x128xf32, #tpu.memory_space<vmem_shared>> -> memref<640x128xf32, #tpu.memory_space<vmem_shared>>
      tpu.enqueue_dma source(%arg6 : memref<640x128xf32, #tpu.memory_space<hbm>>) target(%dma_start3A_60 : memref<640x128xf32, #tpu.memory_space<vmem_shared>>) target_semaphore(%run_scoped3A : memref<!tpu.dma_semaphore, #tpu.memory_space<semaphore_mem>>)
      %dma_wait3A_61 = arith.constant 0 : i32
      %dma_wait3A_62 = tpu.memref_slice %arg14[%mul3A_0, %dma_wait3A_61] : memref<10240x128xf32, #tpu.memory_space<vmem_shared>> -> memref<640x128xf32, #tpu.memory_space<vmem_shared>>
      tpu.wait_dma2 semaphore(%run_scoped3A : memref<!tpu.dma_semaphore, #tpu.memory_space<semaphore_mem>>) src(%arg6 : memref<640x128xf32, #tpu.memory_space<hbm>>) dst(%dma_wait3A_62 : memref<640x128xf32, #tpu.memory_space<vmem_shared>>)
      tpu.yield
    }) : () -> ()
    %mul3A_1 = arith.constant 10240 : i32
    %mul3A_2 = arith.muli %arg1, %mul3A_1 : i32
    %multiple_of3A = tpu.assume_multiple %mul3A_2, 8 : i32
    "tpu.region"() ({
      %run_scoped3A = tpu.sem_alloc : memref<!tpu.dma_semaphore, #tpu.memory_space<semaphore_mem>>
      %dma_start3A = tpu.memref_slice %arg4[%multiple_of3A] : memref<163840xi32, #tpu.memory_space<hbm>> -> memref<10240xi32, #tpu.memory_space<hbm>>
      %dma_start3A_60 = tpu.memref_slice %arg4[%multiple_of3A] : memref<163840xi32, #tpu.memory_space<hbm>> -> memref<10240xi32, #tpu.memory_space<hbm>>
      tpu.enqueue_dma source(%dma_start3A_60 : memref<10240xi32, #tpu.memory_space<hbm>>) target(%arg9 : memref<10240xi32, #tpu.memory_space<vmem>>) target_semaphore(%run_scoped3A : memref<!tpu.dma_semaphore, #tpu.memory_space<semaphore_mem>>)
      %dma_wait3A_61 = tpu.memref_slice %arg4[%multiple_of3A] : memref<163840xi32, #tpu.memory_space<hbm>> -> memref<10240xi32, #tpu.memory_space<hbm>>
      %dma_wait3A_62 = tpu.memref_slice %arg4[%multiple_of3A] : memref<163840xi32, #tpu.memory_space<hbm>> -> memref<10240xi32, #tpu.memory_space<hbm>>
      tpu.wait_dma2 semaphore(%run_scoped3A : memref<!tpu.dma_semaphore, #tpu.memory_space<semaphore_mem>>) src(%dma_wait3A_62 : memref<10240xi32, #tpu.memory_space<hbm>>) dst(%arg9 : memref<10240xi32, #tpu.memory_space<vmem>>)
      tpu.yield
    }) : () -> ()
    "tpu.region"() ({
      %run_scoped3A = tpu.sem_alloc : memref<!tpu.dma_semaphore, #tpu.memory_space<semaphore_mem>>
      %dma_start3A = tpu.memref_slice %arg5[%multiple_of3A] : memref<163840xi32, #tpu.memory_space<hbm>> -> memref<10240xi32, #tpu.memory_space<hbm>>
      %dma_start3A_60 = tpu.memref_slice %arg5[%multiple_of3A] : memref<163840xi32, #tpu.memory_space<hbm>> -> memref<10240xi32, #tpu.memory_space<hbm>>
      tpu.enqueue_dma source(%dma_start3A_60 : memref<10240xi32, #tpu.memory_space<hbm>>) target(%arg10 : memref<10240xi32, #tpu.memory_space<vmem>>) target_semaphore(%run_scoped3A : memref<!tpu.dma_semaphore, #tpu.memory_space<semaphore_mem>>)
      %dma_wait3A_61 = tpu.memref_slice %arg5[%multiple_of3A] : memref<163840xi32, #tpu.memory_space<hbm>> -> memref<10240xi32, #tpu.memory_space<hbm>>
      %dma_wait3A_62 = tpu.memref_slice %arg5[%multiple_of3A] : memref<163840xi32, #tpu.memory_space<hbm>> -> memref<10240xi32, #tpu.memory_space<hbm>>
      tpu.wait_dma2 semaphore(%run_scoped3A : memref<!tpu.dma_semaphore, #tpu.memory_space<semaphore_mem>>) src(%dma_wait3A_62 : memref<10240xi32, #tpu.memory_space<hbm>>) dst(%arg10 : memref<10240xi32, #tpu.memory_space<vmem>>)
      tpu.yield
    }) : () -> ()
    %barrier3A = arith.constant 0 : index
    tpu.barrier barrier_id(%barrier3A)
    %eq3A = arith.constant 0 : i32
    %eq3A_3 = arith.cmpi eq, %arg0, %eq3A : i32
    %convert_element_type3A = arith.extui %eq3A_3 : i1 to i32
    %cond3A = arith.constant 0 : i32
    %cond3A_4 = arith.cmpi ne, %convert_element_type3A, %cond3A : i32
    scf.if %cond3A_4 {
      %dma_start3A = arith.constant 0 : i32
      %dma_start3A_60 = tpu.memref_slice %arg9[%dma_start3A] : memref<10240xi32, #tpu.memory_space<vmem>> -> memref<64xi32, #tpu.memory_space<vmem>>
      %dma_start3A_61 = arith.constant 0 : i32
      %dma_start3A_62 = arith.constant 0 : i32
      %dma_start3A_63 = tpu.memref_slice %arg2[%dma_start3A_61, %dma_start3A_62] : memref<10000x128xf32, #tpu.memory_space<hbm>> -> memref<10000x128xf32, #tpu.memory_space<hbm>>
      tpu.enqueue_indirect_dma source(%dma_start3A_63 : memref<10000x128xf32, #tpu.memory_space<hbm>>) target(%arg11 : memref<64x128xf32, #tpu.memory_space<vmem>>) offsets(%dma_start3A_60 : memref<64xi32, #tpu.memory_space<vmem>>) semaphore(%arg15 : memref<!tpu.dma_semaphore, #tpu.memory_space<semaphore_mem>>)
    } else {
    }
    %eq3A_5 = arith.constant 1 : i32
    %eq3A_6 = arith.cmpi eq, %arg0, %eq3A_5 : i32
    %convert_element_type3A_7 = arith.extui %eq3A_6 : i1 to i32
    %cond3A_8 = arith.constant 0 : i32
    %cond3A_9 = arith.cmpi ne, %convert_element_type3A_7, %cond3A_8 : i32
    scf.if %cond3A_9 {
      %dma_start3A = arith.constant 0 : i32
      %dma_start3A_60 = tpu.memref_slice %arg9[%dma_start3A] : memref<10240xi32, #tpu.memory_space<vmem>> -> memref<64xi32, #tpu.memory_space<vmem>>
      %dma_start3A_61 = arith.constant 0 : i32
      %dma_start3A_62 = arith.constant 0 : i32
      %dma_start3A_63 = tpu.memref_slice %arg3[%dma_start3A_61, %dma_start3A_62] : memref<10000x128xf32, #tpu.memory_space<hbm>> -> memref<10000x128xf32, #tpu.memory_space<hbm>>
      tpu.enqueue_indirect_dma source(%dma_start3A_63 : memref<10000x128xf32, #tpu.memory_space<hbm>>) target(%arg11 : memref<64x128xf32, #tpu.memory_space<vmem>>) offsets(%dma_start3A_60 : memref<64xi32, #tpu.memory_space<vmem>>) semaphore(%arg15 : memref<!tpu.dma_semaphore, #tpu.memory_space<semaphore_mem>>)
    } else {
    }
    %eq3A_10 = arith.constant 0 : i32
    %eq3A_11 = arith.cmpi eq, %arg0, %eq3A_10 : i32
    %convert_element_type3A_12 = arith.extui %eq3A_11 : i1 to i32
    %cond3A_13 = arith.constant 0 : i32
    %cond3A_14 = arith.cmpi ne, %convert_element_type3A_12, %cond3A_13 : i32
    scf.if %cond3A_14 {
      %dma_start3A = arith.constant 64 : i32
      %dma_start3A_60 = tpu.memref_slice %arg9[%dma_start3A] : memref<10240xi32, #tpu.memory_space<vmem>> -> memref<64xi32, #tpu.memory_space<vmem>>
      %dma_start3A_61 = arith.constant 0 : i32
      %dma_start3A_62 = arith.constant 0 : i32
      %dma_start3A_63 = tpu.memref_slice %arg2[%dma_start3A_61, %dma_start3A_62] : memref<10000x128xf32, #tpu.memory_space<hbm>> -> memref<10000x128xf32, #tpu.memory_space<hbm>>
      tpu.enqueue_indirect_dma source(%dma_start3A_63 : memref<10000x128xf32, #tpu.memory_space<hbm>>) target(%arg12 : memref<64x128xf32, #tpu.memory_space<vmem>>) offsets(%dma_start3A_60 : memref<64xi32, #tpu.memory_space<vmem>>) semaphore(%arg16 : memref<!tpu.dma_semaphore, #tpu.memory_space<semaphore_mem>>)
    } else {
    }
    %eq3A_15 = arith.constant 1 : i32
    %eq3A_16 = arith.cmpi eq, %arg0, %eq3A_15 : i32
    %convert_element_type3A_17 = arith.extui %eq3A_16 : i1 to i32
    %cond3A_18 = arith.constant 0 : i32
    %cond3A_19 = arith.cmpi ne, %convert_element_type3A_17, %cond3A_18 : i32
    scf.if %cond3A_19 {
      %dma_start3A = arith.constant 64 : i32
      %dma_start3A_60 = tpu.memref_slice %arg9[%dma_start3A] : memref<10240xi32, #tpu.memory_space<vmem>> -> memref<64xi32, #tpu.memory_space<vmem>>
      %dma_start3A_61 = arith.constant 0 : i32
      %dma_start3A_62 = arith.constant 0 : i32
      %dma_start3A_63 = tpu.memref_slice %arg3[%dma_start3A_61, %dma_start3A_62] : memref<10000x128xf32, #tpu.memory_space<hbm>> -> memref<10000x128xf32, #tpu.memory_space<hbm>>
      tpu.enqueue_indirect_dma source(%dma_start3A_63 : memref<10000x128xf32, #tpu.memory_space<hbm>>) target(%arg12 : memref<64x128xf32, #tpu.memory_space<vmem>>) offsets(%dma_start3A_60 : memref<64xi32, #tpu.memory_space<vmem>>) semaphore(%arg16 : memref<!tpu.dma_semaphore, #tpu.memory_space<semaphore_mem>>)
    } else {
    }
    %eq3A_20 = arith.constant 0 : i32
    %eq3A_21 = arith.cmpi eq, %arg0, %eq3A_20 : i32
    %convert_element_type3A_22 = arith.extui %eq3A_21 : i1 to i32
    %cond3A_23 = arith.constant 0 : i32
    %cond3A_24 = arith.cmpi ne, %convert_element_type3A_22, %cond3A_23 : i32
    scf.if %cond3A_24 {
      %dma_start3A = arith.constant 128 : i32
      %dma_start3A_60 = tpu.memref_slice %arg9[%dma_start3A] : memref<10240xi32, #tpu.memory_space<vmem>> -> memref<64xi32, #tpu.memory_space<vmem>>
      %dma_start3A_61 = arith.constant 0 : i32
      %dma_start3A_62 = arith.constant 0 : i32
      %dma_start3A_63 = tpu.memref_slice %arg2[%dma_start3A_61, %dma_start3A_62] : memref<10000x128xf32, #tpu.memory_space<hbm>> -> memref<10000x128xf32, #tpu.memory_space<hbm>>
      tpu.enqueue_indirect_dma source(%dma_start3A_63 : memref<10000x128xf32, #tpu.memory_space<hbm>>) target(%arg13 : memref<64x128xf32, #tpu.memory_space<vmem>>) offsets(%dma_start3A_60 : memref<64xi32, #tpu.memory_space<vmem>>) semaphore(%arg17 : memref<!tpu.dma_semaphore, #tpu.memory_space<semaphore_mem>>)
    } else {
    }
    %eq3A_25 = arith.constant 1 : i32
    %eq3A_26 = arith.cmpi eq, %arg0, %eq3A_25 : i32
    %convert_element_type3A_27 = arith.extui %eq3A_26 : i1 to i32
    %cond3A_28 = arith.constant 0 : i32
    %cond3A_29 = arith.cmpi ne, %convert_element_type3A_27, %cond3A_28 : i32
    scf.if %cond3A_29 {
      %dma_start3A = arith.constant 128 : i32
      %dma_start3A_60 = tpu.memref_slice %arg9[%dma_start3A] : memref<10240xi32, #tpu.memory_space<vmem>> -> memref<64xi32, #tpu.memory_space<vmem>>
      %dma_start3A_61 = arith.constant 0 : i32
      %dma_start3A_62 = arith.constant 0 : i32
      %dma_start3A_63 = tpu.memref_slice %arg3[%dma_start3A_61, %dma_start3A_62] : memref<10000x128xf32, #tpu.memory_space<hbm>> -> memref<10000x128xf32, #tpu.memory_space<hbm>>
      tpu.enqueue_indirect_dma source(%dma_start3A_63 : memref<10000x128xf32, #tpu.memory_space<hbm>>) target(%arg13 : memref<64x128xf32, #tpu.memory_space<vmem>>) offsets(%dma_start3A_60 : memref<64xi32, #tpu.memory_space<vmem>>) semaphore(%arg17 : memref<!tpu.dma_semaphore, #tpu.memory_space<semaphore_mem>>)
    } else {
    }
    %scan3A = arith.constant 0 : i32
    %scan3A_30 = arith.constant 0 : i32
    %scan3A_31 = arith.constant 53 : i32
    %scan3A_32 = arith.addi %scan3A_30, %scan3A_31 : i32
    %scan3A_33 = arith.constant 1 : i32
    scf.for %scan3A_60 = %scan3A_30 to %scan3A_32 step %scan3A_33  : i32 {
      %mul3A_61 = arith.constant 3 : i32
      %mul3A_62 = arith.muli %mul3A_61, %scan3A_60 : i32
      %dma_wait3A_63 = arith.constant 0 : i32
      %dma_wait3A_64 = tpu.memref_slice %arg9[%dma_wait3A_63] : memref<10240xi32, #tpu.memory_space<vmem>> -> memref<64xi32, #tpu.memory_space<vmem>>
      %dma_wait3A_65 = arith.constant 0 : i32
      %dma_wait3A_66 = arith.constant 0 : i32
      %dma_wait3A_67 = tpu.memref_slice %arg2[%dma_wait3A_65, %dma_wait3A_66] : memref<10000x128xf32, #tpu.memory_space<hbm>> -> memref<10000x128xf32, #tpu.memory_space<hbm>>
      tpu.wait_indirect_dma semaphore(%arg15 : memref<!tpu.dma_semaphore, #tpu.memory_space<semaphore_mem>>) src(%dma_wait3A_67 : memref<10000x128xf32, #tpu.memory_space<hbm>>) dst(%arg11 : memref<64x128xf32, #tpu.memory_space<vmem>>)
      %add3A = arith.constant 0 : i32
      %add3A_68 = arith.addi %mul3A_62, %add3A : i32
      %mul3A_69 = arith.constant 64 : i32
      %mul3A_70 = arith.muli %add3A_68, %mul3A_69 : i32
      %dma_start3A = tpu.memref_slice %arg10[%mul3A_70] : memref<10240xi32, #tpu.memory_space<vmem>> -> memref<64xi32, #tpu.memory_space<vmem>>
      %dma_start3A_71 = arith.constant 0 : i32
      %dma_start3A_72 = arith.constant 0 : i32
      %dma_start3A_73 = tpu.memref_slice %arg14[%dma_start3A_71, %dma_start3A_72] : memref<10240x128xf32, #tpu.memory_space<vmem_shared>> -> memref<10240x128xf32, #tpu.memory_space<vmem_shared>>
      tpu.enqueue_indirect_dma source(%arg11 : memref<64x128xf32, #tpu.memory_space<vmem>>) target(%dma_start3A_73 : memref<10240x128xf32, #tpu.memory_space<vmem_shared>>) offsets(%dma_start3A : memref<64xi32, #tpu.memory_space<vmem>>) semaphore(%arg18 : memref<!tpu.dma_semaphore, #tpu.memory_space<semaphore_mem>>) {add = true}
      %lt3A = arith.constant 52 : i32
      %lt3A_74 = arith.cmpi slt, %scan3A_60, %lt3A : i32
      %convert_element_type3A_75 = arith.extui %lt3A_74 : i1 to i32
      %cond3A_76 = arith.constant 0 : i32
      %cond3A_77 = arith.cmpi ne, %convert_element_type3A_75, %cond3A_76 : i32
      scf.if %cond3A_77 {
        %dma_wait3A_114 = arith.constant 0 : i32
        %dma_wait3A_115 = tpu.memref_slice %arg10[%dma_wait3A_114] : memref<10240xi32, #tpu.memory_space<vmem>> -> memref<64xi32, #tpu.memory_space<vmem>>
        %dma_wait3A_116 = arith.constant 0 : i32
        %dma_wait3A_117 = arith.constant 0 : i32
        %dma_wait3A_118 = tpu.memref_slice %arg14[%dma_wait3A_116, %dma_wait3A_117] : memref<10240x128xf32, #tpu.memory_space<vmem_shared>> -> memref<10240x128xf32, #tpu.memory_space<vmem_shared>>
        tpu.wait_indirect_dma semaphore(%arg18 : memref<!tpu.dma_semaphore, #tpu.memory_space<semaphore_mem>>) src(%arg11 : memref<64x128xf32, #tpu.memory_space<vmem>>) dst(%dma_wait3A_118 : memref<10240x128xf32, #tpu.memory_space<vmem_shared>>)
        %add3A_119 = arith.constant 3 : i32
        %add3A_120 = arith.addi %mul3A_62, %add3A_119 : i32
        %add3A_121 = arith.constant 0 : i32
        %add3A_122 = arith.addi %add3A_120, %add3A_121 : i32
        %mul3A_123 = arith.constant 64 : i32
        %mul3A_124 = arith.muli %add3A_122, %mul3A_123 : i32
        %eq3A_125 = arith.constant 0 : i32
        %eq3A_126 = arith.cmpi eq, %arg0, %eq3A_125 : i32
        %convert_element_type3A_127 = arith.extui %eq3A_126 : i1 to i32
        %cond3A_128 = arith.constant 0 : i32
        %cond3A_129 = arith.cmpi ne, %convert_element_type3A_127, %cond3A_128 : i32
        scf.if %cond3A_129 {
          %dma_start3A_135 = tpu.memref_slice %arg9[%mul3A_124] : memref<10240xi32, #tpu.memory_space<vmem>> -> memref<64xi32, #tpu.memory_space<vmem>>
          %dma_start3A_136 = arith.constant 0 : i32
          %dma_start3A_137 = arith.constant 0 : i32
          %dma_start3A_138 = tpu.memref_slice %arg2[%dma_start3A_136, %dma_start3A_137] : memref<10000x128xf32, #tpu.memory_space<hbm>> -> memref<10000x128xf32, #tpu.memory_space<hbm>>
          tpu.enqueue_indirect_dma source(%dma_start3A_138 : memref<10000x128xf32, #tpu.memory_space<hbm>>) target(%arg11 : memref<64x128xf32, #tpu.memory_space<vmem>>) offsets(%dma_start3A_135 : memref<64xi32, #tpu.memory_space<vmem>>) semaphore(%arg15 : memref<!tpu.dma_semaphore, #tpu.memory_space<semaphore_mem>>)
        } else {
        }
        %eq3A_130 = arith.constant 1 : i32
        %eq3A_131 = arith.cmpi eq, %arg0, %eq3A_130 : i32
        %convert_element_type3A_132 = arith.extui %eq3A_131 : i1 to i32
        %cond3A_133 = arith.constant 0 : i32
        %cond3A_134 = arith.cmpi ne, %convert_element_type3A_132, %cond3A_133 : i32
        scf.if %cond3A_134 {
          %dma_start3A_135 = tpu.memref_slice %arg9[%mul3A_124] : memref<10240xi32, #tpu.memory_space<vmem>> -> memref<64xi32, #tpu.memory_space<vmem>>
          %dma_start3A_136 = arith.constant 0 : i32
          %dma_start3A_137 = arith.constant 0 : i32
          %dma_start3A_138 = tpu.memref_slice %arg3[%dma_start3A_136, %dma_start3A_137] : memref<10000x128xf32, #tpu.memory_space<hbm>> -> memref<10000x128xf32, #tpu.memory_space<hbm>>
          tpu.enqueue_indirect_dma source(%dma_start3A_138 : memref<10000x128xf32, #tpu.memory_space<hbm>>) target(%arg11 : memref<64x128xf32, #tpu.memory_space<vmem>>) offsets(%dma_start3A_135 : memref<64xi32, #tpu.memory_space<vmem>>) semaphore(%arg15 : memref<!tpu.dma_semaphore, #tpu.memory_space<semaphore_mem>>)
        } else {
        }
      } else {
      }
      %dma_wait3A_78 = arith.constant 0 : i32
      %dma_wait3A_79 = tpu.memref_slice %arg9[%dma_wait3A_78] : memref<10240xi32, #tpu.memory_space<vmem>> -> memref<64xi32, #tpu.memory_space<vmem>>
      %dma_wait3A_80 = arith.constant 0 : i32
      %dma_wait3A_81 = arith.constant 0 : i32
      %dma_wait3A_82 = tpu.memref_slice %arg2[%dma_wait3A_80, %dma_wait3A_81] : memref<10000x128xf32, #tpu.memory_space<hbm>> -> memref<10000x128xf32, #tpu.memory_space<hbm>>
      tpu.wait_indirect_dma semaphore(%arg16 : memref<!tpu.dma_semaphore, #tpu.memory_space<semaphore_mem>>) src(%dma_wait3A_82 : memref<10000x128xf32, #tpu.memory_space<hbm>>) dst(%arg12 : memref<64x128xf32, #tpu.memory_space<vmem>>)
      %add3A_83 = arith.constant 1 : i32
      %add3A_84 = arith.addi %mul3A_62, %add3A_83 : i32
      %mul3A_85 = arith.constant 64 : i32
      %mul3A_86 = arith.muli %add3A_84, %mul3A_85 : i32
      %dma_start3A_87 = tpu.memref_slice %arg10[%mul3A_86] : memref<10240xi32, #tpu.memory_space<vmem>> -> memref<64xi32, #tpu.memory_space<vmem>>
      %dma_start3A_88 = arith.constant 0 : i32
      %dma_start3A_89 = arith.constant 0 : i32
      %dma_start3A_90 = tpu.memref_slice %arg14[%dma_start3A_88, %dma_start3A_89] : memref<10240x128xf32, #tpu.memory_space<vmem_shared>> -> memref<10240x128xf32, #tpu.memory_space<vmem_shared>>
      tpu.enqueue_indirect_dma source(%arg12 : memref<64x128xf32, #tpu.memory_space<vmem>>) target(%dma_start3A_90 : memref<10240x128xf32, #tpu.memory_space<vmem_shared>>) offsets(%dma_start3A_87 : memref<64xi32, #tpu.memory_space<vmem>>) semaphore(%arg19 : memref<!tpu.dma_semaphore, #tpu.memory_space<semaphore_mem>>) {add = true}
      %lt3A_91 = arith.constant 52 : i32
      %lt3A_92 = arith.cmpi slt, %scan3A_60, %lt3A_91 : i32
      %convert_element_type3A_93 = arith.extui %lt3A_92 : i1 to i32
      %cond3A_94 = arith.constant 0 : i32
      %cond3A_95 = arith.cmpi ne, %convert_element_type3A_93, %cond3A_94 : i32
      scf.if %cond3A_95 {
        %dma_wait3A_114 = arith.constant 0 : i32
        %dma_wait3A_115 = tpu.memref_slice %arg10[%dma_wait3A_114] : memref<10240xi32, #tpu.memory_space<vmem>> -> memref<64xi32, #tpu.memory_space<vmem>>
        %dma_wait3A_116 = arith.constant 0 : i32
        %dma_wait3A_117 = arith.constant 0 : i32
        %dma_wait3A_118 = tpu.memref_slice %arg14[%dma_wait3A_116, %dma_wait3A_117] : memref<10240x128xf32, #tpu.memory_space<vmem_shared>> -> memref<10240x128xf32, #tpu.memory_space<vmem_shared>>
        tpu.wait_indirect_dma semaphore(%arg19 : memref<!tpu.dma_semaphore, #tpu.memory_space<semaphore_mem>>) src(%arg12 : memref<64x128xf32, #tpu.memory_space<vmem>>) dst(%dma_wait3A_118 : memref<10240x128xf32, #tpu.memory_space<vmem_shared>>)
        %add3A_119 = arith.constant 3 : i32
        %add3A_120 = arith.addi %mul3A_62, %add3A_119 : i32
        %add3A_121 = arith.constant 1 : i32
        %add3A_122 = arith.addi %add3A_120, %add3A_121 : i32
        %mul3A_123 = arith.constant 64 : i32
        %mul3A_124 = arith.muli %add3A_122, %mul3A_123 : i32
        %eq3A_125 = arith.constant 0 : i32
        %eq3A_126 = arith.cmpi eq, %arg0, %eq3A_125 : i32
        %convert_element_type3A_127 = arith.extui %eq3A_126 : i1 to i32
        %cond3A_128 = arith.constant 0 : i32
        %cond3A_129 = arith.cmpi ne, %convert_element_type3A_127, %cond3A_128 : i32
        scf.if %cond3A_129 {
          %dma_start3A_135 = tpu.memref_slice %arg9[%mul3A_124] : memref<10240xi32, #tpu.memory_space<vmem>> -> memref<64xi32, #tpu.memory_space<vmem>>
          %dma_start3A_136 = arith.constant 0 : i32
          %dma_start3A_137 = arith.constant 0 : i32
          %dma_start3A_138 = tpu.memref_slice %arg2[%dma_start3A_136, %dma_start3A_137] : memref<10000x128xf32, #tpu.memory_space<hbm>> -> memref<10000x128xf32, #tpu.memory_space<hbm>>
          tpu.enqueue_indirect_dma source(%dma_start3A_138 : memref<10000x128xf32, #tpu.memory_space<hbm>>) target(%arg12 : memref<64x128xf32, #tpu.memory_space<vmem>>) offsets(%dma_start3A_135 : memref<64xi32, #tpu.memory_space<vmem>>) semaphore(%arg16 : memref<!tpu.dma_semaphore, #tpu.memory_space<semaphore_mem>>)
        } else {
        }
        %eq3A_130 = arith.constant 1 : i32
        %eq3A_131 = arith.cmpi eq, %arg0, %eq3A_130 : i32
        %convert_element_type3A_132 = arith.extui %eq3A_131 : i1 to i32
        %cond3A_133 = arith.constant 0 : i32
        %cond3A_134 = arith.cmpi ne, %convert_element_type3A_132, %cond3A_133 : i32
        scf.if %cond3A_134 {
          %dma_start3A_135 = tpu.memref_slice %arg9[%mul3A_124] : memref<10240xi32, #tpu.memory_space<vmem>> -> memref<64xi32, #tpu.memory_space<vmem>>
          %dma_start3A_136 = arith.constant 0 : i32
          %dma_start3A_137 = arith.constant 0 : i32
          %dma_start3A_138 = tpu.memref_slice %arg3[%dma_start3A_136, %dma_start3A_137] : memref<10000x128xf32, #tpu.memory_space<hbm>> -> memref<10000x128xf32, #tpu.memory_space<hbm>>
          tpu.enqueue_indirect_dma source(%dma_start3A_138 : memref<10000x128xf32, #tpu.memory_space<hbm>>) target(%arg12 : memref<64x128xf32, #tpu.memory_space<vmem>>) offsets(%dma_start3A_135 : memref<64xi32, #tpu.memory_space<vmem>>) semaphore(%arg16 : memref<!tpu.dma_semaphore, #tpu.memory_space<semaphore_mem>>)
        } else {
        }
      } else {
      }
      %dma_wait3A_96 = arith.constant 0 : i32
      %dma_wait3A_97 = tpu.memref_slice %arg9[%dma_wait3A_96] : memref<10240xi32, #tpu.memory_space<vmem>> -> memref<64xi32, #tpu.memory_space<vmem>>
      %dma_wait3A_98 = arith.constant 0 : i32
      %dma_wait3A_99 = arith.constant 0 : i32
      %dma_wait3A_100 = tpu.memref_slice %arg2[%dma_wait3A_98, %dma_wait3A_99] : memref<10000x128xf32, #tpu.memory_space<hbm>> -> memref<10000x128xf32, #tpu.memory_space<hbm>>
      tpu.wait_indirect_dma semaphore(%arg17 : memref<!tpu.dma_semaphore, #tpu.memory_space<semaphore_mem>>) src(%dma_wait3A_100 : memref<10000x128xf32, #tpu.memory_space<hbm>>) dst(%arg13 : memref<64x128xf32, #tpu.memory_space<vmem>>)
      %add3A_101 = arith.constant 2 : i32
      %add3A_102 = arith.addi %mul3A_62, %add3A_101 : i32
      %mul3A_103 = arith.constant 64 : i32
      %mul3A_104 = arith.muli %add3A_102, %mul3A_103 : i32
      %dma_start3A_105 = tpu.memref_slice %arg10[%mul3A_104] : memref<10240xi32, #tpu.memory_space<vmem>> -> memref<64xi32, #tpu.memory_space<vmem>>
      %dma_start3A_106 = arith.constant 0 : i32
      %dma_start3A_107 = arith.constant 0 : i32
      %dma_start3A_108 = tpu.memref_slice %arg14[%dma_start3A_106, %dma_start3A_107] : memref<10240x128xf32, #tpu.memory_space<vmem_shared>> -> memref<10240x128xf32, #tpu.memory_space<vmem_shared>>
      tpu.enqueue_indirect_dma source(%arg13 : memref<64x128xf32, #tpu.memory_space<vmem>>) target(%dma_start3A_108 : memref<10240x128xf32, #tpu.memory_space<vmem_shared>>) offsets(%dma_start3A_105 : memref<64xi32, #tpu.memory_space<vmem>>) semaphore(%arg20 : memref<!tpu.dma_semaphore, #tpu.memory_space<semaphore_mem>>) {add = true}
      %lt3A_109 = arith.constant 52 : i32
      %lt3A_110 = arith.cmpi slt, %scan3A_60, %lt3A_109 : i32
      %convert_element_type3A_111 = arith.extui %lt3A_110 : i1 to i32
      %cond3A_112 = arith.constant 0 : i32
      %cond3A_113 = arith.cmpi ne, %convert_element_type3A_111, %cond3A_112 : i32
      scf.if %cond3A_113 {
        %dma_wait3A_114 = arith.constant 0 : i32
        %dma_wait3A_115 = tpu.memref_slice %arg10[%dma_wait3A_114] : memref<10240xi32, #tpu.memory_space<vmem>> -> memref<64xi32, #tpu.memory_space<vmem>>
        %dma_wait3A_116 = arith.constant 0 : i32
        %dma_wait3A_117 = arith.constant 0 : i32
        %dma_wait3A_118 = tpu.memref_slice %arg14[%dma_wait3A_116, %dma_wait3A_117] : memref<10240x128xf32, #tpu.memory_space<vmem_shared>> -> memref<10240x128xf32, #tpu.memory_space<vmem_shared>>
        tpu.wait_indirect_dma semaphore(%arg20 : memref<!tpu.dma_semaphore, #tpu.memory_space<semaphore_mem>>) src(%arg13 : memref<64x128xf32, #tpu.memory_space<vmem>>) dst(%dma_wait3A_118 : memref<10240x128xf32, #tpu.memory_space<vmem_shared>>)
        %add3A_119 = arith.constant 3 : i32
        %add3A_120 = arith.addi %mul3A_62, %add3A_119 : i32
        %add3A_121 = arith.constant 2 : i32
        %add3A_122 = arith.addi %add3A_120, %add3A_121 : i32
        %mul3A_123 = arith.constant 64 : i32
        %mul3A_124 = arith.muli %add3A_122, %mul3A_123 : i32
        %eq3A_125 = arith.constant 0 : i32
        %eq3A_126 = arith.cmpi eq, %arg0, %eq3A_125 : i32
        %convert_element_type3A_127 = arith.extui %eq3A_126 : i1 to i32
        %cond3A_128 = arith.constant 0 : i32
        %cond3A_129 = arith.cmpi ne, %convert_element_type3A_127, %cond3A_128 : i32
        scf.if %cond3A_129 {
          %dma_start3A_135 = tpu.memref_slice %arg9[%mul3A_124] : memref<10240xi32, #tpu.memory_space<vmem>> -> memref<64xi32, #tpu.memory_space<vmem>>
          %dma_start3A_136 = arith.constant 0 : i32
          %dma_start3A_137 = arith.constant 0 : i32
          %dma_start3A_138 = tpu.memref_slice %arg2[%dma_start3A_136, %dma_start3A_137] : memref<10000x128xf32, #tpu.memory_space<hbm>> -> memref<10000x128xf32, #tpu.memory_space<hbm>>
          tpu.enqueue_indirect_dma source(%dma_start3A_138 : memref<10000x128xf32, #tpu.memory_space<hbm>>) target(%arg13 : memref<64x128xf32, #tpu.memory_space<vmem>>) offsets(%dma_start3A_135 : memref<64xi32, #tpu.memory_space<vmem>>) semaphore(%arg17 : memref<!tpu.dma_semaphore, #tpu.memory_space<semaphore_mem>>)
        } else {
        }
        %eq3A_130 = arith.constant 1 : i32
        %eq3A_131 = arith.cmpi eq, %arg0, %eq3A_130 : i32
        %convert_element_type3A_132 = arith.extui %eq3A_131 : i1 to i32
        %cond3A_133 = arith.constant 0 : i32
        %cond3A_134 = arith.cmpi ne, %convert_element_type3A_132, %cond3A_133 : i32
        scf.if %cond3A_134 {
          %dma_start3A_135 = tpu.memref_slice %arg9[%mul3A_124] : memref<10240xi32, #tpu.memory_space<vmem>> -> memref<64xi32, #tpu.memory_space<vmem>>
          %dma_start3A_136 = arith.constant 0 : i32
          %dma_start3A_137 = arith.constant 0 : i32
          %dma_start3A_138 = tpu.memref_slice %arg3[%dma_start3A_136, %dma_start3A_137] : memref<10000x128xf32, #tpu.memory_space<hbm>> -> memref<10000x128xf32, #tpu.memory_space<hbm>>
          tpu.enqueue_indirect_dma source(%dma_start3A_138 : memref<10000x128xf32, #tpu.memory_space<hbm>>) target(%arg13 : memref<64x128xf32, #tpu.memory_space<vmem>>) offsets(%dma_start3A_135 : memref<64xi32, #tpu.memory_space<vmem>>) semaphore(%arg17 : memref<!tpu.dma_semaphore, #tpu.memory_space<semaphore_mem>>)
        } else {
        }
      } else {
      }
    }
    %scan3A_34 = arith.constant 53 : i32
    %dma_wait3A = arith.constant 0 : i32
    %dma_wait3A_35 = tpu.memref_slice %arg10[%dma_wait3A] : memref<10240xi32, #tpu.memory_space<vmem>> -> memref<64xi32, #tpu.memory_space<vmem>>
    %dma_wait3A_36 = arith.constant 0 : i32
    %dma_wait3A_37 = arith.constant 0 : i32
    %dma_wait3A_38 = tpu.memref_slice %arg14[%dma_wait3A_36, %dma_wait3A_37] : memref<10240x128xf32, #tpu.memory_space<vmem_shared>> -> memref<10240x128xf32, #tpu.memory_space<vmem_shared>>
    tpu.wait_indirect_dma semaphore(%arg18 : memref<!tpu.dma_semaphore, #tpu.memory_space<semaphore_mem>>) src(%arg11 : memref<64x128xf32, #tpu.memory_space<vmem>>) dst(%dma_wait3A_38 : memref<10240x128xf32, #tpu.memory_space<vmem_shared>>)
    %dma_wait3A_39 = arith.constant 0 : i32
    %dma_wait3A_40 = tpu.memref_slice %arg10[%dma_wait3A_39] : memref<10240xi32, #tpu.memory_space<vmem>> -> memref<64xi32, #tpu.memory_space<vmem>>
    %dma_wait3A_41 = arith.constant 0 : i32
    %dma_wait3A_42 = arith.constant 0 : i32
    %dma_wait3A_43 = tpu.memref_slice %arg14[%dma_wait3A_41, %dma_wait3A_42] : memref<10240x128xf32, #tpu.memory_space<vmem_shared>> -> memref<10240x128xf32, #tpu.memory_space<vmem_shared>>
    tpu.wait_indirect_dma semaphore(%arg19 : memref<!tpu.dma_semaphore, #tpu.memory_space<semaphore_mem>>) src(%arg12 : memref<64x128xf32, #tpu.memory_space<vmem>>) dst(%dma_wait3A_43 : memref<10240x128xf32, #tpu.memory_space<vmem_shared>>)
    %dma_wait3A_44 = arith.constant 0 : i32
    %dma_wait3A_45 = tpu.memref_slice %arg10[%dma_wait3A_44] : memref<10240xi32, #tpu.memory_space<vmem>> -> memref<64xi32, #tpu.memory_space<vmem>>
    %dma_wait3A_46 = arith.constant 0 : i32
    %dma_wait3A_47 = arith.constant 0 : i32
    %dma_wait3A_48 = tpu.memref_slice %arg14[%dma_wait3A_46, %dma_wait3A_47] : memref<10240x128xf32, #tpu.memory_space<vmem_shared>> -> memref<10240x128xf32, #tpu.memory_space<vmem_shared>>
    tpu.wait_indirect_dma semaphore(%arg20 : memref<!tpu.dma_semaphore, #tpu.memory_space<semaphore_mem>>) src(%arg13 : memref<64x128xf32, #tpu.memory_space<vmem>>) dst(%dma_wait3A_48 : memref<10240x128xf32, #tpu.memory_space<vmem_shared>>)
    %barrier3A_49 = arith.constant 0 : index
    tpu.barrier barrier_id(%barrier3A_49)
    %eq3A_50 = arith.constant 0 : i32
    %eq3A_51 = arith.cmpi eq, %arg0, %eq3A_50 : i32
    %convert_element_type3A_52 = arith.extui %eq3A_51 : i1 to i32
    %cond3A_53 = arith.constant 0 : i32
    %cond3A_54 = arith.cmpi ne, %convert_element_type3A_52, %cond3A_53 : i32
    scf.if %cond3A_54 {
      "tpu.region"() ({
        %run_scoped3A = tpu.sem_alloc : memref<!tpu.dma_semaphore, #tpu.memory_space<semaphore_mem>>
        %dma_start3A = arith.constant 0 : i32
        %dma_start3A_60 = tpu.memref_slice %arg7[%mul3A_0, %dma_start3A] : memref<10240x128xf32, #tpu.memory_space<hbm>> -> memref<640x128xf32, #tpu.memory_space<hbm>>
        %dma_start3A_61 = arith.constant 0 : i32
        %dma_start3A_62 = tpu.memref_slice %arg14[%mul3A_0, %dma_start3A_61] : memref<10240x128xf32, #tpu.memory_space<vmem_shared>> -> memref<640x128xf32, #tpu.memory_space<vmem_shared>>
        tpu.enqueue_dma source(%dma_start3A_62 : memref<640x128xf32, #tpu.memory_space<vmem_shared>>) target(%dma_start3A_60 : memref<640x128xf32, #tpu.memory_space<hbm>>) target_semaphore(%run_scoped3A : memref<!tpu.dma_semaphore, #tpu.memory_space<semaphore_mem>>)
        %dma_wait3A_63 = arith.constant 0 : i32
        %dma_wait3A_64 = tpu.memref_slice %arg7[%mul3A_0, %dma_wait3A_63] : memref<10240x128xf32, #tpu.memory_space<hbm>> -> memref<640x128xf32, #tpu.memory_space<hbm>>
        %dma_wait3A_65 = arith.constant 0 : i32
        %dma_wait3A_66 = tpu.memref_slice %arg14[%mul3A_0, %dma_wait3A_65] : memref<10240x128xf32, #tpu.memory_space<vmem_shared>> -> memref<640x128xf32, #tpu.memory_space<vmem_shared>>
        tpu.wait_dma2 semaphore(%run_scoped3A : memref<!tpu.dma_semaphore, #tpu.memory_space<semaphore_mem>>) src(%dma_wait3A_66 : memref<640x128xf32, #tpu.memory_space<vmem_shared>>) dst(%dma_wait3A_64 : memref<640x128xf32, #tpu.memory_space<hbm>>)
        tpu.yield
      }) : () -> ()
    } else {
    }
    %eq3A_55 = arith.constant 1 : i32
    %eq3A_56 = arith.cmpi eq, %arg0, %eq3A_55 : i32
    %convert_element_type3A_57 = arith.extui %eq3A_56 : i1 to i32
    %cond3A_58 = arith.constant 0 : i32
    %cond3A_59 = arith.cmpi ne, %convert_element_type3A_57, %cond3A_58 : i32
    scf.if %cond3A_59 {
      "tpu.region"() ({
        %run_scoped3A = tpu.sem_alloc : memref<!tpu.dma_semaphore, #tpu.memory_space<semaphore_mem>>
        %dma_start3A = arith.constant 0 : i32
        %dma_start3A_60 = tpu.memref_slice %arg8[%mul3A_0, %dma_start3A] : memref<10240x128xf32, #tpu.memory_space<hbm>> -> memref<640x128xf32, #tpu.memory_space<hbm>>
        %dma_start3A_61 = arith.constant 0 : i32
        %dma_start3A_62 = tpu.memref_slice %arg14[%mul3A_0, %dma_start3A_61] : memref<10240x128xf32, #tpu.memory_space<vmem_shared>> -> memref<640x128xf32, #tpu.memory_space<vmem_shared>>
        tpu.enqueue_dma source(%dma_start3A_62 : memref<640x128xf32, #tpu.memory_space<vmem_shared>>) target(%dma_start3A_60 : memref<640x128xf32, #tpu.memory_space<hbm>>) target_semaphore(%run_scoped3A : memref<!tpu.dma_semaphore, #tpu.memory_space<semaphore_mem>>)
        %dma_wait3A_63 = arith.constant 0 : i32
        %dma_wait3A_64 = tpu.memref_slice %arg8[%mul3A_0, %dma_wait3A_63] : memref<10240x128xf32, #tpu.memory_space<hbm>> -> memref<640x128xf32, #tpu.memory_space<hbm>>
        %dma_wait3A_65 = arith.constant 0 : i32
        %dma_wait3A_66 = tpu.memref_slice %arg14[%mul3A_0, %dma_wait3A_65] : memref<10240x128xf32, #tpu.memory_space<vmem_shared>> -> memref<640x128xf32, #tpu.memory_space<vmem_shared>>
        tpu.wait_dma2 semaphore(%run_scoped3A : memref<!tpu.dma_semaphore, #tpu.memory_space<semaphore_mem>>) src(%dma_wait3A_66 : memref<640x128xf32, #tpu.memory_space<vmem_shared>>) dst(%dma_wait3A_64 : memref<640x128xf32, #tpu.memory_space<hbm>>)
        tpu.yield
      }) : () -> ()
    } else {
    }
    return
  }
}

#map = affine_map<(d0, d1) -> (0, 0)>
#map1 = affine_map<(d0, d1) -> (0)>
module attributes {stable_mosaic.version = 14 : i64} {
  func.func @_sc_segsum_body(%arg0: i32, %arg1: i32, %arg2: memref<10000x128xf32, #tpu.memory_space<hbm>>, %arg3: memref<10000x128xf32, #tpu.memory_space<hbm>>, %arg4: memref<163840xi32, #tpu.memory_space<hbm>>, %arg5: memref<163840xi32, #tpu.memory_space<hbm>>, %arg6: memref<640x128xf32, #tpu.memory_space<hbm>>, %arg7: memref<10240x128xf32, #tpu.memory_space<hbm>>, %arg8: memref<10240x128xf32, #tpu.memory_space<hbm>>, %arg9: memref<10240xi32, #tpu.memory_space<vmem>>, %arg10: memref<10240xi32, #tpu.memory_space<vmem>>, %arg11: memref<64x128xf32, #tpu.memory_space<vmem>>, %arg12: memref<64x128xf32, #tpu.memory_space<vmem>>, %arg13: memref<64x128xf32, #tpu.memory_space<vmem>>, %arg14: memref<10240x128xf32, #tpu.memory_space<vmem_shared>>, %arg15: memref<!tpu.dma_semaphore, #tpu.memory_space<semaphore_mem>>, %arg16: memref<!tpu.dma_semaphore, #tpu.memory_space<semaphore_mem>>, %arg17: memref<!tpu.dma_semaphore, #tpu.memory_space<semaphore_mem>>, %arg18: memref<!tpu.dma_semaphore, #tpu.memory_space<semaphore_mem>>, %arg19: memref<!tpu.dma_semaphore, #tpu.memory_space<semaphore_mem>>, %arg20: memref<!tpu.dma_semaphore, #tpu.memory_space<semaphore_mem>>) attributes {dimension_semantics = [#tpu.dimension_semantics<core_parallel>, #tpu.dimension_semantics<subcore_parallel>], iteration_bounds = array<i64: 2, 16>, scalar_prefetch = 0 : i64, scratch_operands = 12 : i64, tpu.core_type = #tpu.core_type<sc_vector_subcore>, window_params = [{transform_indices = #map}, {transform_indices = #map}, {transform_indices = #map1}, {transform_indices = #map1}, {transform_indices = #map}, {transform_indices = #map}, {transform_indices = #map}]} {
    %mul3A = arith.constant 640 : i32
    %mul3A_0 = arith.muli %arg1, %mul3A : i32
    "tpu.region"() ({
      %run_scoped3A = tpu.sem_alloc : memref<!tpu.dma_semaphore, #tpu.memory_space<semaphore_mem>>
      %dma_start3A = arith.constant 0 : i32
      %dma_start3A_60 = tpu.memref_slice %arg14[%mul3A_0, %dma_start3A] : memref<10240x128xf32, #tpu.memory_space<vmem_shared>> -> memref<640x128xf32, #tpu.memory_space<vmem_shared>>
      tpu.enqueue_dma source(%arg6 : memref<640x128xf32, #tpu.memory_space<hbm>>) target(%dma_start3A_60 : memref<640x128xf32, #tpu.memory_space<vmem_shared>>) target_semaphore(%run_scoped3A : memref<!tpu.dma_semaphore, #tpu.memory_space<semaphore_mem>>)
      %dma_wait3A_61 = arith.constant 0 : i32
      %dma_wait3A_62 = tpu.memref_slice %arg14[%mul3A_0, %dma_wait3A_61] : memref<10240x128xf32, #tpu.memory_space<vmem_shared>> -> memref<640x128xf32, #tpu.memory_space<vmem_shared>>
      tpu.wait_dma2 semaphore(%run_scoped3A : memref<!tpu.dma_semaphore, #tpu.memory_space<semaphore_mem>>) src(%arg6 : memref<640x128xf32, #tpu.memory_space<hbm>>) dst(%dma_wait3A_62 : memref<640x128xf32, #tpu.memory_space<vmem_shared>>)
      tpu.yield
    }) : () -> ()
    %mul3A_1 = arith.constant 10240 : i32
    %mul3A_2 = arith.muli %arg1, %mul3A_1 : i32
    %multiple_of3A = tpu.assume_multiple %mul3A_2, 8 : i32
    "tpu.region"() ({
      %run_scoped3A = tpu.sem_alloc : memref<!tpu.dma_semaphore, #tpu.memory_space<semaphore_mem>>
      %dma_start3A = tpu.memref_slice %arg4[%multiple_of3A] : memref<163840xi32, #tpu.memory_space<hbm>> -> memref<10240xi32, #tpu.memory_space<hbm>>
      %dma_start3A_60 = tpu.memref_slice %arg4[%multiple_of3A] : memref<163840xi32, #tpu.memory_space<hbm>> -> memref<10240xi32, #tpu.memory_space<hbm>>
      tpu.enqueue_dma source(%dma_start3A_60 : memref<10240xi32, #tpu.memory_space<hbm>>) target(%arg9 : memref<10240xi32, #tpu.memory_space<vmem>>) target_semaphore(%run_scoped3A : memref<!tpu.dma_semaphore, #tpu.memory_space<semaphore_mem>>)
      %dma_wait3A_61 = tpu.memref_slice %arg4[%multiple_of3A] : memref<163840xi32, #tpu.memory_space<hbm>> -> memref<10240xi32, #tpu.memory_space<hbm>>
      %dma_wait3A_62 = tpu.memref_slice %arg4[%multiple_of3A] : memref<163840xi32, #tpu.memory_space<hbm>> -> memref<10240xi32, #tpu.memory_space<hbm>>
      tpu.wait_dma2 semaphore(%run_scoped3A : memref<!tpu.dma_semaphore, #tpu.memory_space<semaphore_mem>>) src(%dma_wait3A_62 : memref<10240xi32, #tpu.memory_space<hbm>>) dst(%arg9 : memref<10240xi32, #tpu.memory_space<vmem>>)
      tpu.yield
    }) : () -> ()
    "tpu.region"() ({
      %run_scoped3A = tpu.sem_alloc : memref<!tpu.dma_semaphore, #tpu.memory_space<semaphore_mem>>
      %dma_start3A = tpu.memref_slice %arg5[%multiple_of3A] : memref<163840xi32, #tpu.memory_space<hbm>> -> memref<10240xi32, #tpu.memory_space<hbm>>
      %dma_start3A_60 = tpu.memref_slice %arg5[%multiple_of3A] : memref<163840xi32, #tpu.memory_space<hbm>> -> memref<10240xi32, #tpu.memory_space<hbm>>
      tpu.enqueue_dma source(%dma_start3A_60 : memref<10240xi32, #tpu.memory_space<hbm>>) target(%arg10 : memref<10240xi32, #tpu.memory_space<vmem>>) target_semaphore(%run_scoped3A : memref<!tpu.dma_semaphore, #tpu.memory_space<semaphore_mem>>)
      %dma_wait3A_61 = tpu.memref_slice %arg5[%multiple_of3A] : memref<163840xi32, #tpu.memory_space<hbm>> -> memref<10240xi32, #tpu.memory_space<hbm>>
      %dma_wait3A_62 = tpu.memref_slice %arg5[%multiple_of3A] : memref<163840xi32, #tpu.memory_space<hbm>> -> memref<10240xi32, #tpu.memory_space<hbm>>
      tpu.wait_dma2 semaphore(%run_scoped3A : memref<!tpu.dma_semaphore, #tpu.memory_space<semaphore_mem>>) src(%dma_wait3A_62 : memref<10240xi32, #tpu.memory_space<hbm>>) dst(%arg10 : memref<10240xi32, #tpu.memory_space<vmem>>)
      tpu.yield
    }) : () -> ()
    %barrier3A = arith.constant 0 : index
    tpu.barrier barrier_id(%barrier3A)
    %eq3A = arith.constant 0 : i32
    %eq3A_3 = arith.cmpi eq, %arg0, %eq3A : i32
    %convert_element_type3A = arith.extui %eq3A_3 : i1 to i32
    %cond3A = arith.constant 0 : i32
    %cond3A_4 = arith.cmpi ne, %convert_element_type3A, %cond3A : i32
    scf.if %cond3A_4 {
      %dma_start3A = arith.constant 0 : i32
      %dma_start3A_60 = tpu.memref_slice %arg9[%dma_start3A] : memref<10240xi32, #tpu.memory_space<vmem>> -> memref<64xi32, #tpu.memory_space<vmem>>
      %dma_start3A_61 = arith.constant 0 : i32
      %dma_start3A_62 = arith.constant 0 : i32
      %dma_start3A_63 = tpu.memref_slice %arg2[%dma_start3A_61, %dma_start3A_62] : memref<10000x128xf32, #tpu.memory_space<hbm>> -> memref<10000x128xf32, #tpu.memory_space<hbm>>
      tpu.enqueue_indirect_dma source(%dma_start3A_63 : memref<10000x128xf32, #tpu.memory_space<hbm>>) target(%arg11 : memref<64x128xf32, #tpu.memory_space<vmem>>) offsets(%dma_start3A_60 : memref<64xi32, #tpu.memory_space<vmem>>) semaphore(%arg15 : memref<!tpu.dma_semaphore, #tpu.memory_space<semaphore_mem>>)
    } else {
    }
    %eq3A_5 = arith.constant 1 : i32
    %eq3A_6 = arith.cmpi eq, %arg0, %eq3A_5 : i32
    %convert_element_type3A_7 = arith.extui %eq3A_6 : i1 to i32
    %cond3A_8 = arith.constant 0 : i32
    %cond3A_9 = arith.cmpi ne, %convert_element_type3A_7, %cond3A_8 : i32
    scf.if %cond3A_9 {
      %dma_start3A = arith.constant 0 : i32
      %dma_start3A_60 = tpu.memref_slice %arg9[%dma_start3A] : memref<10240xi32, #tpu.memory_space<vmem>> -> memref<64xi32, #tpu.memory_space<vmem>>
      %dma_start3A_61 = arith.constant 0 : i32
      %dma_start3A_62 = arith.constant 0 : i32
      %dma_start3A_63 = tpu.memref_slice %arg3[%dma_start3A_61, %dma_start3A_62] : memref<10000x128xf32, #tpu.memory_space<hbm>> -> memref<10000x128xf32, #tpu.memory_space<hbm>>
      tpu.enqueue_indirect_dma source(%dma_start3A_63 : memref<10000x128xf32, #tpu.memory_space<hbm>>) target(%arg11 : memref<64x128xf32, #tpu.memory_space<vmem>>) offsets(%dma_start3A_60 : memref<64xi32, #tpu.memory_space<vmem>>) semaphore(%arg15 : memref<!tpu.dma_semaphore, #tpu.memory_space<semaphore_mem>>)
    } else {
    }
    %eq3A_10 = arith.constant 0 : i32
    %eq3A_11 = arith.cmpi eq, %arg0, %eq3A_10 : i32
    %convert_element_type3A_12 = arith.extui %eq3A_11 : i1 to i32
    %cond3A_13 = arith.constant 0 : i32
    %cond3A_14 = arith.cmpi ne, %convert_element_type3A_12, %cond3A_13 : i32
    scf.if %cond3A_14 {
      %dma_start3A = arith.constant 64 : i32
      %dma_start3A_60 = tpu.memref_slice %arg9[%dma_start3A] : memref<10240xi32, #tpu.memory_space<vmem>> -> memref<64xi32, #tpu.memory_space<vmem>>
      %dma_start3A_61 = arith.constant 0 : i32
      %dma_start3A_62 = arith.constant 0 : i32
      %dma_start3A_63 = tpu.memref_slice %arg2[%dma_start3A_61, %dma_start3A_62] : memref<10000x128xf32, #tpu.memory_space<hbm>> -> memref<10000x128xf32, #tpu.memory_space<hbm>>
      tpu.enqueue_indirect_dma source(%dma_start3A_63 : memref<10000x128xf32, #tpu.memory_space<hbm>>) target(%arg12 : memref<64x128xf32, #tpu.memory_space<vmem>>) offsets(%dma_start3A_60 : memref<64xi32, #tpu.memory_space<vmem>>) semaphore(%arg16 : memref<!tpu.dma_semaphore, #tpu.memory_space<semaphore_mem>>)
    } else {
    }
    %eq3A_15 = arith.constant 1 : i32
    %eq3A_16 = arith.cmpi eq, %arg0, %eq3A_15 : i32
    %convert_element_type3A_17 = arith.extui %eq3A_16 : i1 to i32
    %cond3A_18 = arith.constant 0 : i32
    %cond3A_19 = arith.cmpi ne, %convert_element_type3A_17, %cond3A_18 : i32
    scf.if %cond3A_19 {
      %dma_start3A = arith.constant 64 : i32
      %dma_start3A_60 = tpu.memref_slice %arg9[%dma_start3A] : memref<10240xi32, #tpu.memory_space<vmem>> -> memref<64xi32, #tpu.memory_space<vmem>>
      %dma_start3A_61 = arith.constant 0 : i32
      %dma_start3A_62 = arith.constant 0 : i32
      %dma_start3A_63 = tpu.memref_slice %arg3[%dma_start3A_61, %dma_start3A_62] : memref<10000x128xf32, #tpu.memory_space<hbm>> -> memref<10000x128xf32, #tpu.memory_space<hbm>>
      tpu.enqueue_indirect_dma source(%dma_start3A_63 : memref<10000x128xf32, #tpu.memory_space<hbm>>) target(%arg12 : memref<64x128xf32, #tpu.memory_space<vmem>>) offsets(%dma_start3A_60 : memref<64xi32, #tpu.memory_space<vmem>>) semaphore(%arg16 : memref<!tpu.dma_semaphore, #tpu.memory_space<semaphore_mem>>)
    } else {
    }
    %eq3A_20 = arith.constant 0 : i32
    %eq3A_21 = arith.cmpi eq, %arg0, %eq3A_20 : i32
    %convert_element_type3A_22 = arith.extui %eq3A_21 : i1 to i32
    %cond3A_23 = arith.constant 0 : i32
    %cond3A_24 = arith.cmpi ne, %convert_element_type3A_22, %cond3A_23 : i32
    scf.if %cond3A_24 {
      %dma_start3A = arith.constant 128 : i32
      %dma_start3A_60 = tpu.memref_slice %arg9[%dma_start3A] : memref<10240xi32, #tpu.memory_space<vmem>> -> memref<64xi32, #tpu.memory_space<vmem>>
      %dma_start3A_61 = arith.constant 0 : i32
      %dma_start3A_62 = arith.constant 0 : i32
      %dma_start3A_63 = tpu.memref_slice %arg2[%dma_start3A_61, %dma_start3A_62] : memref<10000x128xf32, #tpu.memory_space<hbm>> -> memref<10000x128xf32, #tpu.memory_space<hbm>>
      tpu.enqueue_indirect_dma source(%dma_start3A_63 : memref<10000x128xf32, #tpu.memory_space<hbm>>) target(%arg13 : memref<64x128xf32, #tpu.memory_space<vmem>>) offsets(%dma_start3A_60 : memref<64xi32, #tpu.memory_space<vmem>>) semaphore(%arg17 : memref<!tpu.dma_semaphore, #tpu.memory_space<semaphore_mem>>)
    } else {
    }
    %eq3A_25 = arith.constant 1 : i32
    %eq3A_26 = arith.cmpi eq, %arg0, %eq3A_25 : i32
    %convert_element_type3A_27 = arith.extui %eq3A_26 : i1 to i32
    %cond3A_28 = arith.constant 0 : i32
    %cond3A_29 = arith.cmpi ne, %convert_element_type3A_27, %cond3A_28 : i32
    scf.if %cond3A_29 {
      %dma_start3A = arith.constant 128 : i32
      %dma_start3A_60 = tpu.memref_slice %arg9[%dma_start3A] : memref<10240xi32, #tpu.memory_space<vmem>> -> memref<64xi32, #tpu.memory_space<vmem>>
      %dma_start3A_61 = arith.constant 0 : i32
      %dma_start3A_62 = arith.constant 0 : i32
      %dma_start3A_63 = tpu.memref_slice %arg3[%dma_start3A_61, %dma_start3A_62] : memref<10000x128xf32, #tpu.memory_space<hbm>> -> memref<10000x128xf32, #tpu.memory_space<hbm>>
      tpu.enqueue_indirect_dma source(%dma_start3A_63 : memref<10000x128xf32, #tpu.memory_space<hbm>>) target(%arg13 : memref<64x128xf32, #tpu.memory_space<vmem>>) offsets(%dma_start3A_60 : memref<64xi32, #tpu.memory_space<vmem>>) semaphore(%arg17 : memref<!tpu.dma_semaphore, #tpu.memory_space<semaphore_mem>>)
    } else {
    }
    %scan3A = arith.constant 0 : i32
    %scan3A_30 = arith.constant 0 : i32
    %scan3A_31 = arith.constant 53 : i32
    %scan3A_32 = arith.addi %scan3A_30, %scan3A_31 : i32
    %scan3A_33 = arith.constant 1 : i32
    scf.for %scan3A_60 = %scan3A_30 to %scan3A_32 step %scan3A_33  : i32 {
      %mul3A_61 = arith.constant 3 : i32
      %mul3A_62 = arith.muli %mul3A_61, %scan3A_60 : i32
      %dma_wait3A_63 = arith.constant 0 : i32
      %dma_wait3A_64 = tpu.memref_slice %arg9[%dma_wait3A_63] : memref<10240xi32, #tpu.memory_space<vmem>> -> memref<64xi32, #tpu.memory_space<vmem>>
      %dma_wait3A_65 = arith.constant 0 : i32
      %dma_wait3A_66 = arith.constant 0 : i32
      %dma_wait3A_67 = tpu.memref_slice %arg2[%dma_wait3A_65, %dma_wait3A_66] : memref<10000x128xf32, #tpu.memory_space<hbm>> -> memref<10000x128xf32, #tpu.memory_space<hbm>>
      tpu.wait_indirect_dma semaphore(%arg15 : memref<!tpu.dma_semaphore, #tpu.memory_space<semaphore_mem>>) src(%dma_wait3A_67 : memref<10000x128xf32, #tpu.memory_space<hbm>>) dst(%arg11 : memref<64x128xf32, #tpu.memory_space<vmem>>)
      %add3A = arith.constant 0 : i32
      %add3A_68 = arith.addi %mul3A_62, %add3A : i32
      %mul3A_69 = arith.constant 64 : i32
      %mul3A_70 = arith.muli %add3A_68, %mul3A_69 : i32
      %dma_start3A = tpu.memref_slice %arg10[%mul3A_70] : memref<10240xi32, #tpu.memory_space<vmem>> -> memref<64xi32, #tpu.memory_space<vmem>>
      %dma_start3A_71 = arith.constant 0 : i32
      %dma_start3A_72 = arith.constant 0 : i32
      %dma_start3A_73 = tpu.memref_slice %arg14[%dma_start3A_71, %dma_start3A_72] : memref<10240x128xf32, #tpu.memory_space<vmem_shared>> -> memref<10240x128xf32, #tpu.memory_space<vmem_shared>>
      tpu.enqueue_indirect_dma source(%arg11 : memref<64x128xf32, #tpu.memory_space<vmem>>) target(%dma_start3A_73 : memref<10240x128xf32, #tpu.memory_space<vmem_shared>>) offsets(%dma_start3A : memref<64xi32, #tpu.memory_space<vmem>>) semaphore(%arg18 : memref<!tpu.dma_semaphore, #tpu.memory_space<semaphore_mem>>) {add = true}
      %lt3A = arith.constant 52 : i32
      %lt3A_74 = arith.cmpi slt, %scan3A_60, %lt3A : i32
      %convert_element_type3A_75 = arith.extui %lt3A_74 : i1 to i32
      %cond3A_76 = arith.constant 0 : i32
      %cond3A_77 = arith.cmpi ne, %convert_element_type3A_75, %cond3A_76 : i32
      scf.if %cond3A_77 {
        %dma_wait3A_114 = arith.constant 0 : i32
        %dma_wait3A_115 = tpu.memref_slice %arg10[%dma_wait3A_114] : memref<10240xi32, #tpu.memory_space<vmem>> -> memref<64xi32, #tpu.memory_space<vmem>>
        %dma_wait3A_116 = arith.constant 0 : i32
        %dma_wait3A_117 = arith.constant 0 : i32
        %dma_wait3A_118 = tpu.memref_slice %arg14[%dma_wait3A_116, %dma_wait3A_117] : memref<10240x128xf32, #tpu.memory_space<vmem_shared>> -> memref<10240x128xf32, #tpu.memory_space<vmem_shared>>
        tpu.wait_indirect_dma semaphore(%arg18 : memref<!tpu.dma_semaphore, #tpu.memory_space<semaphore_mem>>) src(%arg11 : memref<64x128xf32, #tpu.memory_space<vmem>>) dst(%dma_wait3A_118 : memref<10240x128xf32, #tpu.memory_space<vmem_shared>>)
        %add3A_119 = arith.constant 3 : i32
        %add3A_120 = arith.addi %mul3A_62, %add3A_119 : i32
        %add3A_121 = arith.constant 0 : i32
        %add3A_122 = arith.addi %add3A_120, %add3A_121 : i32
        %mul3A_123 = arith.constant 64 : i32
        %mul3A_124 = arith.muli %add3A_122, %mul3A_123 : i32
        %eq3A_125 = arith.constant 0 : i32
        %eq3A_126 = arith.cmpi eq, %arg0, %eq3A_125 : i32
        %convert_element_type3A_127 = arith.extui %eq3A_126 : i1 to i32
        %cond3A_128 = arith.constant 0 : i32
        %cond3A_129 = arith.cmpi ne, %convert_element_type3A_127, %cond3A_128 : i32
        scf.if %cond3A_129 {
          %dma_start3A_135 = tpu.memref_slice %arg9[%mul3A_124] : memref<10240xi32, #tpu.memory_space<vmem>> -> memref<64xi32, #tpu.memory_space<vmem>>
          %dma_start3A_136 = arith.constant 0 : i32
          %dma_start3A_137 = arith.constant 0 : i32
          %dma_start3A_138 = tpu.memref_slice %arg2[%dma_start3A_136, %dma_start3A_137] : memref<10000x128xf32, #tpu.memory_space<hbm>> -> memref<10000x128xf32, #tpu.memory_space<hbm>>
          tpu.enqueue_indirect_dma source(%dma_start3A_138 : memref<10000x128xf32, #tpu.memory_space<hbm>>) target(%arg11 : memref<64x128xf32, #tpu.memory_space<vmem>>) offsets(%dma_start3A_135 : memref<64xi32, #tpu.memory_space<vmem>>) semaphore(%arg15 : memref<!tpu.dma_semaphore, #tpu.memory_space<semaphore_mem>>)
        } else {
        }
        %eq3A_130 = arith.constant 1 : i32
        %eq3A_131 = arith.cmpi eq, %arg0, %eq3A_130 : i32
        %convert_element_type3A_132 = arith.extui %eq3A_131 : i1 to i32
        %cond3A_133 = arith.constant 0 : i32
        %cond3A_134 = arith.cmpi ne, %convert_element_type3A_132, %cond3A_133 : i32
        scf.if %cond3A_134 {
          %dma_start3A_135 = tpu.memref_slice %arg9[%mul3A_124] : memref<10240xi32, #tpu.memory_space<vmem>> -> memref<64xi32, #tpu.memory_space<vmem>>
          %dma_start3A_136 = arith.constant 0 : i32
          %dma_start3A_137 = arith.constant 0 : i32
          %dma_start3A_138 = tpu.memref_slice %arg3[%dma_start3A_136, %dma_start3A_137] : memref<10000x128xf32, #tpu.memory_space<hbm>> -> memref<10000x128xf32, #tpu.memory_space<hbm>>
          tpu.enqueue_indirect_dma source(%dma_start3A_138 : memref<10000x128xf32, #tpu.memory_space<hbm>>) target(%arg11 : memref<64x128xf32, #tpu.memory_space<vmem>>) offsets(%dma_start3A_135 : memref<64xi32, #tpu.memory_space<vmem>>) semaphore(%arg15 : memref<!tpu.dma_semaphore, #tpu.memory_space<semaphore_mem>>)
        } else {
        }
      } else {
      }
      %dma_wait3A_78 = arith.constant 0 : i32
      %dma_wait3A_79 = tpu.memref_slice %arg9[%dma_wait3A_78] : memref<10240xi32, #tpu.memory_space<vmem>> -> memref<64xi32, #tpu.memory_space<vmem>>
      %dma_wait3A_80 = arith.constant 0 : i32
      %dma_wait3A_81 = arith.constant 0 : i32
      %dma_wait3A_82 = tpu.memref_slice %arg2[%dma_wait3A_80, %dma_wait3A_81] : memref<10000x128xf32, #tpu.memory_space<hbm>> -> memref<10000x128xf32, #tpu.memory_space<hbm>>
      tpu.wait_indirect_dma semaphore(%arg16 : memref<!tpu.dma_semaphore, #tpu.memory_space<semaphore_mem>>) src(%dma_wait3A_82 : memref<10000x128xf32, #tpu.memory_space<hbm>>) dst(%arg12 : memref<64x128xf32, #tpu.memory_space<vmem>>)
      %add3A_83 = arith.constant 1 : i32
      %add3A_84 = arith.addi %mul3A_62, %add3A_83 : i32
      %mul3A_85 = arith.constant 64 : i32
      %mul3A_86 = arith.muli %add3A_84, %mul3A_85 : i32
      %dma_start3A_87 = tpu.memref_slice %arg10[%mul3A_86] : memref<10240xi32, #tpu.memory_space<vmem>> -> memref<64xi32, #tpu.memory_space<vmem>>
      %dma_start3A_88 = arith.constant 0 : i32
      %dma_start3A_89 = arith.constant 0 : i32
      %dma_start3A_90 = tpu.memref_slice %arg14[%dma_start3A_88, %dma_start3A_89] : memref<10240x128xf32, #tpu.memory_space<vmem_shared>> -> memref<10240x128xf32, #tpu.memory_space<vmem_shared>>
      tpu.enqueue_indirect_dma source(%arg12 : memref<64x128xf32, #tpu.memory_space<vmem>>) target(%dma_start3A_90 : memref<10240x128xf32, #tpu.memory_space<vmem_shared>>) offsets(%dma_start3A_87 : memref<64xi32, #tpu.memory_space<vmem>>) semaphore(%arg19 : memref<!tpu.dma_semaphore, #tpu.memory_space<semaphore_mem>>) {add = true}
      %lt3A_91 = arith.constant 52 : i32
      %lt3A_92 = arith.cmpi slt, %scan3A_60, %lt3A_91 : i32
      %convert_element_type3A_93 = arith.extui %lt3A_92 : i1 to i32
      %cond3A_94 = arith.constant 0 : i32
      %cond3A_95 = arith.cmpi ne, %convert_element_type3A_93, %cond3A_94 : i32
      scf.if %cond3A_95 {
        %dma_wait3A_114 = arith.constant 0 : i32
        %dma_wait3A_115 = tpu.memref_slice %arg10[%dma_wait3A_114] : memref<10240xi32, #tpu.memory_space<vmem>> -> memref<64xi32, #tpu.memory_space<vmem>>
        %dma_wait3A_116 = arith.constant 0 : i32
        %dma_wait3A_117 = arith.constant 0 : i32
        %dma_wait3A_118 = tpu.memref_slice %arg14[%dma_wait3A_116, %dma_wait3A_117] : memref<10240x128xf32, #tpu.memory_space<vmem_shared>> -> memref<10240x128xf32, #tpu.memory_space<vmem_shared>>
        tpu.wait_indirect_dma semaphore(%arg19 : memref<!tpu.dma_semaphore, #tpu.memory_space<semaphore_mem>>) src(%arg12 : memref<64x128xf32, #tpu.memory_space<vmem>>) dst(%dma_wait3A_118 : memref<10240x128xf32, #tpu.memory_space<vmem_shared>>)
        %add3A_119 = arith.constant 3 : i32
        %add3A_120 = arith.addi %mul3A_62, %add3A_119 : i32
        %add3A_121 = arith.constant 1 : i32
        %add3A_122 = arith.addi %add3A_120, %add3A_121 : i32
        %mul3A_123 = arith.constant 64 : i32
        %mul3A_124 = arith.muli %add3A_122, %mul3A_123 : i32
        %eq3A_125 = arith.constant 0 : i32
        %eq3A_126 = arith.cmpi eq, %arg0, %eq3A_125 : i32
        %convert_element_type3A_127 = arith.extui %eq3A_126 : i1 to i32
        %cond3A_128 = arith.constant 0 : i32
        %cond3A_129 = arith.cmpi ne, %convert_element_type3A_127, %cond3A_128 : i32
        scf.if %cond3A_129 {
          %dma_start3A_135 = tpu.memref_slice %arg9[%mul3A_124] : memref<10240xi32, #tpu.memory_space<vmem>> -> memref<64xi32, #tpu.memory_space<vmem>>
          %dma_start3A_136 = arith.constant 0 : i32
          %dma_start3A_137 = arith.constant 0 : i32
          %dma_start3A_138 = tpu.memref_slice %arg2[%dma_start3A_136, %dma_start3A_137] : memref<10000x128xf32, #tpu.memory_space<hbm>> -> memref<10000x128xf32, #tpu.memory_space<hbm>>
          tpu.enqueue_indirect_dma source(%dma_start3A_138 : memref<10000x128xf32, #tpu.memory_space<hbm>>) target(%arg12 : memref<64x128xf32, #tpu.memory_space<vmem>>) offsets(%dma_start3A_135 : memref<64xi32, #tpu.memory_space<vmem>>) semaphore(%arg16 : memref<!tpu.dma_semaphore, #tpu.memory_space<semaphore_mem>>)
        } else {
        }
        %eq3A_130 = arith.constant 1 : i32
        %eq3A_131 = arith.cmpi eq, %arg0, %eq3A_130 : i32
        %convert_element_type3A_132 = arith.extui %eq3A_131 : i1 to i32
        %cond3A_133 = arith.constant 0 : i32
        %cond3A_134 = arith.cmpi ne, %convert_element_type3A_132, %cond3A_133 : i32
        scf.if %cond3A_134 {
          %dma_start3A_135 = tpu.memref_slice %arg9[%mul3A_124] : memref<10240xi32, #tpu.memory_space<vmem>> -> memref<64xi32, #tpu.memory_space<vmem>>
          %dma_start3A_136 = arith.constant 0 : i32
          %dma_start3A_137 = arith.constant 0 : i32
          %dma_start3A_138 = tpu.memref_slice %arg3[%dma_start3A_136, %dma_start3A_137] : memref<10000x128xf32, #tpu.memory_space<hbm>> -> memref<10000x128xf32, #tpu.memory_space<hbm>>
          tpu.enqueue_indirect_dma source(%dma_start3A_138 : memref<10000x128xf32, #tpu.memory_space<hbm>>) target(%arg12 : memref<64x128xf32, #tpu.memory_space<vmem>>) offsets(%dma_start3A_135 : memref<64xi32, #tpu.memory_space<vmem>>) semaphore(%arg16 : memref<!tpu.dma_semaphore, #tpu.memory_space<semaphore_mem>>)
        } else {
        }
      } else {
      }
      %dma_wait3A_96 = arith.constant 0 : i32
      %dma_wait3A_97 = tpu.memref_slice %arg9[%dma_wait3A_96] : memref<10240xi32, #tpu.memory_space<vmem>> -> memref<64xi32, #tpu.memory_space<vmem>>
      %dma_wait3A_98 = arith.constant 0 : i32
      %dma_wait3A_99 = arith.constant 0 : i32
      %dma_wait3A_100 = tpu.memref_slice %arg2[%dma_wait3A_98, %dma_wait3A_99] : memref<10000x128xf32, #tpu.memory_space<hbm>> -> memref<10000x128xf32, #tpu.memory_space<hbm>>
      tpu.wait_indirect_dma semaphore(%arg17 : memref<!tpu.dma_semaphore, #tpu.memory_space<semaphore_mem>>) src(%dma_wait3A_100 : memref<10000x128xf32, #tpu.memory_space<hbm>>) dst(%arg13 : memref<64x128xf32, #tpu.memory_space<vmem>>)
      %add3A_101 = arith.constant 2 : i32
      %add3A_102 = arith.addi %mul3A_62, %add3A_101 : i32
      %mul3A_103 = arith.constant 64 : i32
      %mul3A_104 = arith.muli %add3A_102, %mul3A_103 : i32
      %dma_start3A_105 = tpu.memref_slice %arg10[%mul3A_104] : memref<10240xi32, #tpu.memory_space<vmem>> -> memref<64xi32, #tpu.memory_space<vmem>>
      %dma_start3A_106 = arith.constant 0 : i32
      %dma_start3A_107 = arith.constant 0 : i32
      %dma_start3A_108 = tpu.memref_slice %arg14[%dma_start3A_106, %dma_start3A_107] : memref<10240x128xf32, #tpu.memory_space<vmem_shared>> -> memref<10240x128xf32, #tpu.memory_space<vmem_shared>>
      tpu.enqueue_indirect_dma source(%arg13 : memref<64x128xf32, #tpu.memory_space<vmem>>) target(%dma_start3A_108 : memref<10240x128xf32, #tpu.memory_space<vmem_shared>>) offsets(%dma_start3A_105 : memref<64xi32, #tpu.memory_space<vmem>>) semaphore(%arg20 : memref<!tpu.dma_semaphore, #tpu.memory_space<semaphore_mem>>) {add = true}
      %lt3A_109 = arith.constant 52 : i32
      %lt3A_110 = arith.cmpi slt, %scan3A_60, %lt3A_109 : i32
      %convert_element_type3A_111 = arith.extui %lt3A_110 : i1 to i32
      %cond3A_112 = arith.constant 0 : i32
      %cond3A_113 = arith.cmpi ne, %convert_element_type3A_111, %cond3A_112 : i32
      scf.if %cond3A_113 {
        %dma_wait3A_114 = arith.constant 0 : i32
        %dma_wait3A_115 = tpu.memref_slice %arg10[%dma_wait3A_114] : memref<10240xi32, #tpu.memory_space<vmem>> -> memref<64xi32, #tpu.memory_space<vmem>>
        %dma_wait3A_116 = arith.constant 0 : i32
        %dma_wait3A_117 = arith.constant 0 : i32
        %dma_wait3A_118 = tpu.memref_slice %arg14[%dma_wait3A_116, %dma_wait3A_117] : memref<10240x128xf32, #tpu.memory_space<vmem_shared>> -> memref<10240x128xf32, #tpu.memory_space<vmem_shared>>
        tpu.wait_indirect_dma semaphore(%arg20 : memref<!tpu.dma_semaphore, #tpu.memory_space<semaphore_mem>>) src(%arg13 : memref<64x128xf32, #tpu.memory_space<vmem>>) dst(%dma_wait3A_118 : memref<10240x128xf32, #tpu.memory_space<vmem_shared>>)
        %add3A_119 = arith.constant 3 : i32
        %add3A_120 = arith.addi %mul3A_62, %add3A_119 : i32
        %add3A_121 = arith.constant 2 : i32
        %add3A_122 = arith.addi %add3A_120, %add3A_121 : i32
        %mul3A_123 = arith.constant 64 : i32
        %mul3A_124 = arith.muli %add3A_122, %mul3A_123 : i32
        %eq3A_125 = arith.constant 0 : i32
        %eq3A_126 = arith.cmpi eq, %arg0, %eq3A_125 : i32
        %convert_element_type3A_127 = arith.extui %eq3A_126 : i1 to i32
        %cond3A_128 = arith.constant 0 : i32
        %cond3A_129 = arith.cmpi ne, %convert_element_type3A_127, %cond3A_128 : i32
        scf.if %cond3A_129 {
          %dma_start3A_135 = tpu.memref_slice %arg9[%mul3A_124] : memref<10240xi32, #tpu.memory_space<vmem>> -> memref<64xi32, #tpu.memory_space<vmem>>
          %dma_start3A_136 = arith.constant 0 : i32
          %dma_start3A_137 = arith.constant 0 : i32
          %dma_start3A_138 = tpu.memref_slice %arg2[%dma_start3A_136, %dma_start3A_137] : memref<10000x128xf32, #tpu.memory_space<hbm>> -> memref<10000x128xf32, #tpu.memory_space<hbm>>
          tpu.enqueue_indirect_dma source(%dma_start3A_138 : memref<10000x128xf32, #tpu.memory_space<hbm>>) target(%arg13 : memref<64x128xf32, #tpu.memory_space<vmem>>) offsets(%dma_start3A_135 : memref<64xi32, #tpu.memory_space<vmem>>) semaphore(%arg17 : memref<!tpu.dma_semaphore, #tpu.memory_space<semaphore_mem>>)
        } else {
        }
        %eq3A_130 = arith.constant 1 : i32
        %eq3A_131 = arith.cmpi eq, %arg0, %eq3A_130 : i32
        %convert_element_type3A_132 = arith.extui %eq3A_131 : i1 to i32
        %cond3A_133 = arith.constant 0 : i32
        %cond3A_134 = arith.cmpi ne, %convert_element_type3A_132, %cond3A_133 : i32
        scf.if %cond3A_134 {
          %dma_start3A_135 = tpu.memref_slice %arg9[%mul3A_124] : memref<10240xi32, #tpu.memory_space<vmem>> -> memref<64xi32, #tpu.memory_space<vmem>>
          %dma_start3A_136 = arith.constant 0 : i32
          %dma_start3A_137 = arith.constant 0 : i32
          %dma_start3A_138 = tpu.memref_slice %arg3[%dma_start3A_136, %dma_start3A_137] : memref<10000x128xf32, #tpu.memory_space<hbm>> -> memref<10000x128xf32, #tpu.memory_space<hbm>>
          tpu.enqueue_indirect_dma source(%dma_start3A_138 : memref<10000x128xf32, #tpu.memory_space<hbm>>) target(%arg13 : memref<64x128xf32, #tpu.memory_space<vmem>>) offsets(%dma_start3A_135 : memref<64xi32, #tpu.memory_space<vmem>>) semaphore(%arg17 : memref<!tpu.dma_semaphore, #tpu.memory_space<semaphore_mem>>)
        } else {
        }
      } else {
      }
    }
    %scan3A_34 = arith.constant 53 : i32
    %dma_wait3A = arith.constant 0 : i32
    %dma_wait3A_35 = tpu.memref_slice %arg10[%dma_wait3A] : memref<10240xi32, #tpu.memory_space<vmem>> -> memref<64xi32, #tpu.memory_space<vmem>>
    %dma_wait3A_36 = arith.constant 0 : i32
    %dma_wait3A_37 = arith.constant 0 : i32
    %dma_wait3A_38 = tpu.memref_slice %arg14[%dma_wait3A_36, %dma_wait3A_37] : memref<10240x128xf32, #tpu.memory_space<vmem_shared>> -> memref<10240x128xf32, #tpu.memory_space<vmem_shared>>
    tpu.wait_indirect_dma semaphore(%arg18 : memref<!tpu.dma_semaphore, #tpu.memory_space<semaphore_mem>>) src(%arg11 : memref<64x128xf32, #tpu.memory_space<vmem>>) dst(%dma_wait3A_38 : memref<10240x128xf32, #tpu.memory_space<vmem_shared>>)
    %dma_wait3A_39 = arith.constant 0 : i32
    %dma_wait3A_40 = tpu.memref_slice %arg10[%dma_wait3A_39] : memref<10240xi32, #tpu.memory_space<vmem>> -> memref<64xi32, #tpu.memory_space<vmem>>
    %dma_wait3A_41 = arith.constant 0 : i32
    %dma_wait3A_42 = arith.constant 0 : i32
    %dma_wait3A_43 = tpu.memref_slice %arg14[%dma_wait3A_41, %dma_wait3A_42] : memref<10240x128xf32, #tpu.memory_space<vmem_shared>> -> memref<10240x128xf32, #tpu.memory_space<vmem_shared>>
    tpu.wait_indirect_dma semaphore(%arg19 : memref<!tpu.dma_semaphore, #tpu.memory_space<semaphore_mem>>) src(%arg12 : memref<64x128xf32, #tpu.memory_space<vmem>>) dst(%dma_wait3A_43 : memref<10240x128xf32, #tpu.memory_space<vmem_shared>>)
    %dma_wait3A_44 = arith.constant 0 : i32
    %dma_wait3A_45 = tpu.memref_slice %arg10[%dma_wait3A_44] : memref<10240xi32, #tpu.memory_space<vmem>> -> memref<64xi32, #tpu.memory_space<vmem>>
    %dma_wait3A_46 = arith.constant 0 : i32
    %dma_wait3A_47 = arith.constant 0 : i32
    %dma_wait3A_48 = tpu.memref_slice %arg14[%dma_wait3A_46, %dma_wait3A_47] : memref<10240x128xf32, #tpu.memory_space<vmem_shared>> -> memref<10240x128xf32, #tpu.memory_space<vmem_shared>>
    tpu.wait_indirect_dma semaphore(%arg20 : memref<!tpu.dma_semaphore, #tpu.memory_space<semaphore_mem>>) src(%arg13 : memref<64x128xf32, #tpu.memory_space<vmem>>) dst(%dma_wait3A_48 : memref<10240x128xf32, #tpu.memory_space<vmem_shared>>)
    %barrier3A_49 = arith.constant 0 : index
    tpu.barrier barrier_id(%barrier3A_49)
    %eq3A_50 = arith.constant 0 : i32
    %eq3A_51 = arith.cmpi eq, %arg0, %eq3A_50 : i32
    %convert_element_type3A_52 = arith.extui %eq3A_51 : i1 to i32
    %cond3A_53 = arith.constant 0 : i32
    %cond3A_54 = arith.cmpi ne, %convert_element_type3A_52, %cond3A_53 : i32
    scf.if %cond3A_54 {
      "tpu.region"() ({
        %run_scoped3A = tpu.sem_alloc : memref<!tpu.dma_semaphore, #tpu.memory_space<semaphore_mem>>
        %dma_start3A = arith.constant 0 : i32
        %dma_start3A_60 = tpu.memref_slice %arg7[%mul3A_0, %dma_start3A] : memref<10240x128xf32, #tpu.memory_space<hbm>> -> memref<640x128xf32, #tpu.memory_space<hbm>>
        %dma_start3A_61 = arith.constant 0 : i32
        %dma_start3A_62 = tpu.memref_slice %arg14[%mul3A_0, %dma_start3A_61] : memref<10240x128xf32, #tpu.memory_space<vmem_shared>> -> memref<640x128xf32, #tpu.memory_space<vmem_shared>>
        tpu.enqueue_dma source(%dma_start3A_62 : memref<640x128xf32, #tpu.memory_space<vmem_shared>>) target(%dma_start3A_60 : memref<640x128xf32, #tpu.memory_space<hbm>>) target_semaphore(%run_scoped3A : memref<!tpu.dma_semaphore, #tpu.memory_space<semaphore_mem>>)
        %dma_wait3A_63 = arith.constant 0 : i32
        %dma_wait3A_64 = tpu.memref_slice %arg7[%mul3A_0, %dma_wait3A_63] : memref<10240x128xf32, #tpu.memory_space<hbm>> -> memref<640x128xf32, #tpu.memory_space<hbm>>
        %dma_wait3A_65 = arith.constant 0 : i32
        %dma_wait3A_66 = tpu.memref_slice %arg14[%mul3A_0, %dma_wait3A_65] : memref<10240x128xf32, #tpu.memory_space<vmem_shared>> -> memref<640x128xf32, #tpu.memory_space<vmem_shared>>
        tpu.wait_dma2 semaphore(%run_scoped3A : memref<!tpu.dma_semaphore, #tpu.memory_space<semaphore_mem>>) src(%dma_wait3A_66 : memref<640x128xf32, #tpu.memory_space<vmem_shared>>) dst(%dma_wait3A_64 : memref<640x128xf32, #tpu.memory_space<hbm>>)
        tpu.yield
      }) : () -> ()
    } else {
    }
    %eq3A_55 = arith.constant 1 : i32
    %eq3A_56 = arith.cmpi eq, %arg0, %eq3A_55 : i32
    %convert_element_type3A_57 = arith.extui %eq3A_56 : i1 to i32
    %cond3A_58 = arith.constant 0 : i32
    %cond3A_59 = arith.cmpi ne, %convert_element_type3A_57, %cond3A_58 : i32
    scf.if %cond3A_59 {
      "tpu.region"() ({
        %run_scoped3A = tpu.sem_alloc : memref<!tpu.dma_semaphore, #tpu.memory_space<semaphore_mem>>
        %dma_start3A = arith.constant 0 : i32
        %dma_start3A_60 = tpu.memref_slice %arg8[%mul3A_0, %dma_start3A] : memref<10240x128xf32, #tpu.memory_space<hbm>> -> memref<640x128xf32, #tpu.memory_space<hbm>>
        %dma_start3A_61 = arith.constant 0 : i32
        %dma_start3A_62 = tpu.memref_slice %arg14[%mul3A_0, %dma_start3A_61] : memref<10240x128xf32, #tpu.memory_space<vmem_shared>> -> memref<640x128xf32, #tpu.memory_space<vmem_shared>>
        tpu.enqueue_dma source(%dma_start3A_62 : memref<640x128xf32, #tpu.memory_space<vmem_shared>>) target(%dma_start3A_60 : memref<640x128xf32, #tpu.memory_space<hbm>>) target_semaphore(%run_scoped3A : memref<!tpu.dma_semaphore, #tpu.memory_space<semaphore_mem>>)
        %dma_wait3A_63 = arith.constant 0 : i32
        %dma_wait3A_64 = tpu.memref_slice %arg8[%mul3A_0, %dma_wait3A_63] : memref<10240x128xf32, #tpu.memory_space<hbm>> -> memref<640x128xf32, #tpu.memory_space<hbm>>
        %dma_wait3A_65 = arith.constant 0 : i32
        %dma_wait3A_66 = tpu.memref_slice %arg14[%mul3A_0, %dma_wait3A_65] : memref<10240x128xf32, #tpu.memory_space<vmem_shared>> -> memref<640x128xf32, #tpu.memory_space<vmem_shared>>
        tpu.wait_dma2 semaphore(%run_scoped3A : memref<!tpu.dma_semaphore, #tpu.memory_space<semaphore_mem>>) src(%dma_wait3A_66 : memref<640x128xf32, #tpu.memory_space<vmem_shared>>) dst(%dma_wait3A_64 : memref<640x128xf32, #tpu.memory_space<hbm>>)
        tpu.yield
      }) : () -> ()
    } else {
    }
    return
  }
}

module attributes {stable_mosaic.version = 14 : i64} {
  func.func @_mm_a_body(%arg0: i32, %arg1: memref<1000x256xf32, #tpu.memory_space<vmem>>, %arg2: memref<256x256xbf16, #tpu.memory_space<vmem>>, %arg3: memref<1000x128xf32, #tpu.memory_space<vmem>>, %arg4: memref<1000x128xf32, #tpu.memory_space<vmem>>) attributes {dimension_semantics = [#tpu.dimension_semantics<arbitrary>], iteration_bounds = array<i64: 10>, scalar_prefetch = 0 : i64, scratch_operands = 0 : i64, tpu.core_type = #tpu.core_type<tc>, window_params = [{transform_indices = @transform_0, window_bounds = array<i64: 1000, 256>}, {pipeline_mode = #tpu.pipeline_mode<synchronous>, transform_indices = @transform_1, window_bounds = array<i64: 256, 256>}, {transform_indices = @transform_2, window_bounds = array<i64: 1000, 128>}, {transform_indices = @transform_3, window_bounds = array<i64: 1000, 128>}]} {
    %get3A = arith.constant 0 : index
    %get3A_0 = arith.constant 0 : index
    %get3A_1 = vector.load %arg1[%get3A, %get3A_0] : memref<1000x256xf32, #tpu.memory_space<vmem>>, vector<1000x256xf32>
    %convert_element_type3A = arith.truncf %get3A_1 : vector<1000x256xf32> to vector<1000x256xbf16>
    %get3A_2 = arith.constant 0 : index
    %get3A_3 = arith.constant 0 : index
    %get3A_4 = vector.load %arg2[%get3A_2, %get3A_3] : memref<256x256xbf16, #tpu.memory_space<vmem>>, vector<256x256xbf16>
    %dot_general3A = arith.constant dense<0.000000e+00> : vector<1000x256xf32>
    %dot_general3A_5 = tpu.matmul %convert_element_type3A, %get3A_4, %dot_general3A {dimension_numbers = #tpu.dot_dimension_numbers<[1], [0], [0], [1], [0, 0, 1, 1], [], []>, transpose_lhs_hint = false} : vector<1000x256xbf16>, vector<256x256xbf16>, vector<1000x256xf32> -> vector<1000x256xf32>
    %slice3A = vector.extract_strided_slice %dot_general3A_5 {offsets = [0, 0], sizes = [1000, 128], strides = [1, 1]} : vector<1000x256xf32> to vector<1000x128xf32>
    %swap3A = arith.constant 0 : index
    %swap3A_6 = arith.constant 0 : index
    %swap3A_7 = vector.load %arg3[%swap3A, %swap3A_6] : memref<1000x128xf32, #tpu.memory_space<vmem>>, vector<1000x128xf32>
    tpu.vector_store %arg3[%swap3A, %swap3A_6], %slice3A {strides = array<i32>} : memref<1000x128xf32, #tpu.memory_space<vmem>>, vector<1000x128xf32>,
    %slice3A_8 = vector.extract_strided_slice %dot_general3A_5 {offsets = [0, 128], sizes = [1000, 128], strides = [1, 1]} : vector<1000x256xf32> to vector<1000x128xf32>
    %swap3A_9 = arith.constant 0 : index
    %swap3A_10 = arith.constant 0 : index
    %swap3A_11 = vector.load %arg4[%swap3A_9, %swap3A_10] : memref<1000x128xf32, #tpu.memory_space<vmem>>, vector<1000x128xf32>
    tpu.vector_store %arg4[%swap3A_9, %swap3A_10], %slice3A_8 {strides = array<i32>} : memref<1000x128xf32, #tpu.memory_space<vmem>>, vector<1000x128xf32>,
    return
  }
  func.func @transform_0(%arg0: i32) -> (i32, i32) {
    %c0_i32 = arith.constant 0 : i32
    %c0_i32_0 = arith.constant 0 : i32
    return %arg0, %c0_i32 : i32, i32
  }
  func.func @transform_1(%arg0: i32) -> (i32, i32) {
    %c0_i32 = arith.constant 0 : i32
    %c0_i32_0 = arith.constant 0 : i32
    %c0_i32_1 = arith.constant 0 : i32
    return %c0_i32, %c0_i32_0 : i32, i32
  }
  func.func @transform_2(%arg0: i32) -> (i32, i32) {
    %c0_i32 = arith.constant 0 : i32
    %c0_i32_0 = arith.constant 0 : i32
    return %arg0, %c0_i32 : i32, i32
  }
  func.func @transform_3(%arg0: i32) -> (i32, i32) {
    %c0_i32 = arith.constant 0 : i32
    %c0_i32_0 = arith.constant 0 : i32
    return %arg0, %c0_i32 : i32, i32
  }
}

module attributes {stable_mosaic.version = 14 : i64} {
  func.func @_gru_body(%arg0: i32, %arg1: memref<1000x128xf32, #tpu.memory_space<vmem>>, %arg2: memref<1000x128xf32, #tpu.memory_space<vmem>>, %arg3: memref<256x768xbf16, #tpu.memory_space<vmem>>, %arg4: memref<256x768xbf16, #tpu.memory_space<vmem>>, %arg5: memref<1x768xf32, #tpu.memory_space<vmem>>, %arg6: memref<1x768xf32, #tpu.memory_space<vmem>>, %arg7: memref<1000x256xf32, #tpu.memory_space<vmem>>, %arg8: memref<1000x256xf32, #tpu.memory_space<vmem>>) attributes {dimension_semantics = [#tpu.dimension_semantics<arbitrary>], iteration_bounds = array<i64: 10>, scalar_prefetch = 0 : i64, scratch_operands = 0 : i64, tpu.core_type = #tpu.core_type<tc>, window_params = [{transform_indices = @transform_0, window_bounds = array<i64: 1000, 128>}, {transform_indices = @transform_1, window_bounds = array<i64: 1000, 128>}, {pipeline_mode = #tpu.pipeline_mode<synchronous>, transform_indices = @transform_2, window_bounds = array<i64: 256, 768>}, {pipeline_mode = #tpu.pipeline_mode<synchronous>, transform_indices = @transform_3, window_bounds = array<i64: 256, 768>}, {pipeline_mode = #tpu.pipeline_mode<synchronous>, transform_indices = @transform_4, window_bounds = array<i64: 1, 768>}, {pipeline_mode = #tpu.pipeline_mode<synchronous>, transform_indices = @transform_5, window_bounds = array<i64: 1, 768>}, {transform_indices = @transform_6, window_bounds = array<i64: 1000, 256>}, {transform_indices = @transform_7, window_bounds = array<i64: 1000, 256>}]} {
    %get3A = arith.constant 0 : index
    %get3A_0 = arith.constant 0 : index
    %get3A_1 = vector.load %arg3[%get3A, %get3A_0] : memref<256x768xbf16, #tpu.memory_space<vmem>>, vector<256x768xbf16>
    %get3A_2 = arith.constant 0 : index
    %get3A_3 = arith.constant 0 : index
    %get3A_4 = vector.load %arg7[%get3A_2, %get3A_3] : memref<1000x256xf32, #tpu.memory_space<vmem>>, vector<1000x256xf32>
    %convert_element_type3A = arith.truncf %get3A_4 : vector<1000x256xf32> to vector<1000x256xbf16>
    %get3A_5 = arith.constant 0 : index
    %get3A_6 = arith.constant 0 : index
    %get3A_7 = vector.load %arg4[%get3A_5, %get3A_6] : memref<256x768xbf16, #tpu.memory_space<vmem>>, vector<256x768xbf16>
    %dot_general3A = arith.constant dense<0.000000e+00> : vector<1000x768xf32>
    %dot_general3A_8 = tpu.matmul %convert_element_type3A, %get3A_7, %dot_general3A {dimension_numbers = #tpu.dot_dimension_numbers<[1], [0], [0], [1], [0, 0, 1, 1], [], []>, transpose_lhs_hint = false} : vector<1000x256xbf16>, vector<256x768xbf16>, vector<1000x768xf32> -> vector<1000x768xf32>
    %get3A_9 = arith.constant 0 : index
    %get3A_10 = arith.constant 0 : index
    %get3A_11 = vector.load %arg6[%get3A_9, %get3A_10] : memref<1x768xf32, #tpu.memory_space<vmem>>, vector<1x768xf32>
    %add3A = vector.broadcast %get3A_11 : vector<1x768xf32> to vector<1000x768xf32>
    %add3A_12 = arith.addf %dot_general3A_8, %add3A : vector<1000x768xf32>
    %get3A_13 = arith.constant 0 : index
    %get3A_14 = arith.constant 0 : index
    %get3A_15 = vector.load %arg1[%get3A_13, %get3A_14] : memref<1000x128xf32, #tpu.memory_space<vmem>>, vector<1000x128xf32>
    %convert_element_type3A_16 = arith.truncf %get3A_15 : vector<1000x128xf32> to vector<1000x128xbf16>
    %slice3A = vector.extract_strided_slice %get3A_1 {offsets = [0, 0], sizes = [128, 768], strides = [1, 1]} : vector<256x768xbf16> to vector<128x768xbf16>
    %dot_general3A_17 = arith.constant dense<0.000000e+00> : vector<1000x768xf32>
    %dot_general3A_18 = tpu.matmul %convert_element_type3A_16, %slice3A, %dot_general3A_17 {dimension_numbers = #tpu.dot_dimension_numbers<[1], [0], [0], [1], [0, 0, 1, 1], [], []>, transpose_lhs_hint = false} : vector<1000x128xbf16>, vector<128x768xbf16>, vector<1000x768xf32> -> vector<1000x768xf32>
    %get3A_19 = arith.constant 0 : index
    %get3A_20 = arith.constant 0 : index
    %get3A_21 = vector.load %arg2[%get3A_19, %get3A_20] : memref<1000x128xf32, #tpu.memory_space<vmem>>, vector<1000x128xf32>
    %convert_element_type3A_22 = arith.truncf %get3A_21 : vector<1000x128xf32> to vector<1000x128xbf16>
    %slice3A_23 = vector.extract_strided_slice %get3A_1 {offsets = [128, 0], sizes = [128, 768], strides = [1, 1]} : vector<256x768xbf16> to vector<128x768xbf16>
    %dot_general3A_24 = arith.constant dense<0.000000e+00> : vector<1000x768xf32>
    %dot_general3A_25 = tpu.matmul %convert_element_type3A_22, %slice3A_23, %dot_general3A_24 {dimension_numbers = #tpu.dot_dimension_numbers<[1], [0], [0], [1], [0, 0, 1, 1], [], []>, transpose_lhs_hint = false} : vector<1000x128xbf16>, vector<128x768xbf16>, vector<1000x768xf32> -> vector<1000x768xf32>
    %add3A_26 = arith.addf %dot_general3A_18, %dot_general3A_25 : vector<1000x768xf32>
    %get3A_27 = arith.constant 0 : index
    %get3A_28 = arith.constant 0 : index
    %get3A_29 = vector.load %arg5[%get3A_27, %get3A_28] : memref<1x768xf32, #tpu.memory_space<vmem>>, vector<1x768xf32>
    %add3A_30 = vector.broadcast %get3A_29 : vector<1x768xf32> to vector<1000x768xf32>
    %add3A_31 = arith.addf %add3A_26, %add3A_30 : vector<1000x768xf32>
    %slice3A_32 = vector.extract_strided_slice %add3A_31 {offsets = [0, 0], sizes = [1000, 256], strides = [1, 1]} : vector<1000x768xf32> to vector<1000x256xf32>
    %slice3A_33 = vector.extract_strided_slice %add3A_12 {offsets = [0, 0], sizes = [1000, 256], strides = [1, 1]} : vector<1000x768xf32> to vector<1000x256xf32>
    %add3A_34 = arith.addf %slice3A_32, %slice3A_33 : vector<1000x256xf32>
    %logistic3A = arith.negf %add3A_34 : vector<1000x256xf32>
    %logistic3A_35 = math.exp %logistic3A : vector<1000x256xf32>
    %logistic3A_36 = arith.constant 1.000000e+00 : f32
    %logistic3A_37 = vector.broadcast %logistic3A_36 : f32 to vector<1000x256xf32>
    %logistic3A_38 = arith.addf %logistic3A_37, %logistic3A_35 : vector<1000x256xf32>
    %logistic3A_39 = arith.divf %logistic3A_37, %logistic3A_38 : vector<1000x256xf32>
    %slice3A_40 = vector.extract_strided_slice %add3A_31 {offsets = [0, 256], sizes = [1000, 256], strides = [1, 1]} : vector<1000x768xf32> to vector<1000x256xf32>
    %slice3A_41 = vector.extract_strided_slice %add3A_12 {offsets = [0, 256], sizes = [1000, 256], strides = [1, 1]} : vector<1000x768xf32> to vector<1000x256xf32>
    %add3A_42 = arith.addf %slice3A_40, %slice3A_41 : vector<1000x256xf32>
    %logistic3A_43 = arith.negf %add3A_42 : vector<1000x256xf32>
    %logistic3A_44 = math.exp %logistic3A_43 : vector<1000x256xf32>
    %logistic3A_45 = arith.constant 1.000000e+00 : f32
    %logistic3A_46 = vector.broadcast %logistic3A_45 : f32 to vector<1000x256xf32>
    %logistic3A_47 = arith.addf %logistic3A_46, %logistic3A_44 : vector<1000x256xf32>
    %logistic3A_48 = arith.divf %logistic3A_46, %logistic3A_47 : vector<1000x256xf32>
    %slice3A_49 = vector.extract_strided_slice %add3A_31 {offsets = [0, 512], sizes = [1000, 256], strides = [1, 1]} : vector<1000x768xf32> to vector<1000x256xf32>
    %slice3A_50 = vector.extract_strided_slice %add3A_12 {offsets = [0, 512], sizes = [1000, 256], strides = [1, 1]} : vector<1000x768xf32> to vector<1000x256xf32>
    %mul3A = arith.mulf %logistic3A_39, %slice3A_50 : vector<1000x256xf32>
    %add3A_51 = arith.addf %slice3A_49, %mul3A : vector<1000x256xf32>
    %tanh3A = math.tanh %add3A_51 : vector<1000x256xf32>
    %sub3A = arith.constant 1.000000e+00 : f32
    %sub3A_52 = vector.broadcast %sub3A : f32 to vector<1000x256xf32>
    %sub3A_53 = arith.subf %sub3A_52, %logistic3A_48 : vector<1000x256xf32>
    %mul3A_54 = arith.mulf %sub3A_53, %tanh3A : vector<1000x256xf32>
    %mul3A_55 = arith.mulf %logistic3A_48, %get3A_4 : vector<1000x256xf32>
    %add3A_56 = arith.addf %mul3A_54, %mul3A_55 : vector<1000x256xf32>
    %swap3A = arith.constant 0 : index
    %swap3A_57 = arith.constant 0 : index
    %swap3A_58 = vector.load %arg8[%swap3A, %swap3A_57] : memref<1000x256xf32, #tpu.memory_space<vmem>>, vector<1000x256xf32>
    tpu.vector_store %arg8[%swap3A, %swap3A_57], %add3A_56 {strides = array<i32>} : memref<1000x256xf32, #tpu.memory_space<vmem>>, vector<1000x256xf32>,
    return
  }
  func.func @transform_0(%arg0: i32) -> (i32, i32) {
    %c0_i32 = arith.constant 0 : i32
    %c0_i32_0 = arith.constant 0 : i32
    return %arg0, %c0_i32 : i32, i32
  }
  func.func @transform_1(%arg0: i32) -> (i32, i32) {
    %c0_i32 = arith.constant 0 : i32
    %c0_i32_0 = arith.constant 0 : i32
    return %arg0, %c0_i32 : i32, i32
  }
  func.func @transform_2(%arg0: i32) -> (i32, i32) {
    %c0_i32 = arith.constant 0 : i32
    %c0_i32_0 = arith.constant 0 : i32
    %c0_i32_1 = arith.constant 0 : i32
    return %c0_i32, %c0_i32_0 : i32, i32
  }
  func.func @transform_3(%arg0: i32) -> (i32, i32) {
    %c0_i32 = arith.constant 0 : i32
    %c0_i32_0 = arith.constant 0 : i32
    %c0_i32_1 = arith.constant 0 : i32
    return %c0_i32, %c0_i32_0 : i32, i32
  }
  func.func @transform_4(%arg0: i32) -> (i32, i32) {
    %c0_i32 = arith.constant 0 : i32
    %c0_i32_0 = arith.constant 0 : i32
    %c0_i32_1 = arith.constant 0 : i32
    return %c0_i32, %c0_i32_0 : i32, i32
  }
  func.func @transform_5(%arg0: i32) -> (i32, i32) {
    %c0_i32 = arith.constant 0 : i32
    %c0_i32_0 = arith.constant 0 : i32
    %c0_i32_1 = arith.constant 0 : i32
    return %c0_i32, %c0_i32_0 : i32, i32
  }
  func.func @transform_6(%arg0: i32) -> (i32, i32) {
    %c0_i32 = arith.constant 0 : i32
    %c0_i32_0 = arith.constant 0 : i32
    return %arg0, %c0_i32 : i32, i32
  }
  func.func @transform_7(%arg0: i32) -> (i32, i32) {
    %c0_i32 = arith.constant 0 : i32
    %c0_i32_0 = arith.constant 0 : i32
    return %arg0, %c0_i32 : i32, i32
  }
}

module attributes {stable_mosaic.version = 14 : i64} {
  func.func @_gru_body(%arg0: i32, %arg1: memref<1000x128xf32, #tpu.memory_space<vmem>>, %arg2: memref<1000x128xf32, #tpu.memory_space<vmem>>, %arg3: memref<256x768xbf16, #tpu.memory_space<vmem>>, %arg4: memref<256x768xbf16, #tpu.memory_space<vmem>>, %arg5: memref<1x768xf32, #tpu.memory_space<vmem>>, %arg6: memref<1x768xf32, #tpu.memory_space<vmem>>, %arg7: memref<1000x256xf32, #tpu.memory_space<vmem>>, %arg8: memref<1000x256xf32, #tpu.memory_space<vmem>>, %arg9: memref<1000x256xf32, #tpu.memory_space<vmem>>) attributes {dimension_semantics = [#tpu.dimension_semantics<arbitrary>], iteration_bounds = array<i64: 10>, scalar_prefetch = 0 : i64, scratch_operands = 0 : i64, tpu.core_type = #tpu.core_type<tc>, window_params = [{transform_indices = @transform_0, window_bounds = array<i64: 1000, 128>}, {transform_indices = @transform_1, window_bounds = array<i64: 1000, 128>}, {pipeline_mode = #tpu.pipeline_mode<synchronous>, transform_indices = @transform_2, window_bounds = array<i64: 256, 768>}, {pipeline_mode = #tpu.pipeline_mode<synchronous>, transform_indices = @transform_3, window_bounds = array<i64: 256, 768>}, {pipeline_mode = #tpu.pipeline_mode<synchronous>, transform_indices = @transform_4, window_bounds = array<i64: 1, 768>}, {pipeline_mode = #tpu.pipeline_mode<synchronous>, transform_indices = @transform_5, window_bounds = array<i64: 1, 768>}, {transform_indices = @transform_6, window_bounds = array<i64: 1000, 256>}, {transform_indices = @transform_7, window_bounds = array<i64: 1000, 256>}, {transform_indices = @transform_8, window_bounds = array<i64: 1000, 256>}]} {
    %get3A = arith.constant 0 : index
    %get3A_0 = arith.constant 0 : index
    %get3A_1 = vector.load %arg3[%get3A, %get3A_0] : memref<256x768xbf16, #tpu.memory_space<vmem>>, vector<256x768xbf16>
    %get3A_2 = arith.constant 0 : index
    %get3A_3 = arith.constant 0 : index
    %get3A_4 = vector.load %arg7[%get3A_2, %get3A_3] : memref<1000x256xf32, #tpu.memory_space<vmem>>, vector<1000x256xf32>
    %convert_element_type3A = arith.truncf %get3A_4 : vector<1000x256xf32> to vector<1000x256xbf16>
    %get3A_5 = arith.constant 0 : index
    %get3A_6 = arith.constant 0 : index
    %get3A_7 = vector.load %arg4[%get3A_5, %get3A_6] : memref<256x768xbf16, #tpu.memory_space<vmem>>, vector<256x768xbf16>
    %dot_general3A = arith.constant dense<0.000000e+00> : vector<1000x768xf32>
    %dot_general3A_8 = tpu.matmul %convert_element_type3A, %get3A_7, %dot_general3A {dimension_numbers = #tpu.dot_dimension_numbers<[1], [0], [0], [1], [0, 0, 1, 1], [], []>, transpose_lhs_hint = false} : vector<1000x256xbf16>, vector<256x768xbf16>, vector<1000x768xf32> -> vector<1000x768xf32>
    %get3A_9 = arith.constant 0 : index
    %get3A_10 = arith.constant 0 : index
    %get3A_11 = vector.load %arg6[%get3A_9, %get3A_10] : memref<1x768xf32, #tpu.memory_space<vmem>>, vector<1x768xf32>
    %add3A = vector.broadcast %get3A_11 : vector<1x768xf32> to vector<1000x768xf32>
    %add3A_12 = arith.addf %dot_general3A_8, %add3A : vector<1000x768xf32>
    %get3A_13 = arith.constant 0 : index
    %get3A_14 = arith.constant 0 : index
    %get3A_15 = vector.load %arg1[%get3A_13, %get3A_14] : memref<1000x128xf32, #tpu.memory_space<vmem>>, vector<1000x128xf32>
    %convert_element_type3A_16 = arith.truncf %get3A_15 : vector<1000x128xf32> to vector<1000x128xbf16>
    %slice3A = vector.extract_strided_slice %get3A_1 {offsets = [0, 0], sizes = [128, 768], strides = [1, 1]} : vector<256x768xbf16> to vector<128x768xbf16>
    %dot_general3A_17 = arith.constant dense<0.000000e+00> : vector<1000x768xf32>
    %dot_general3A_18 = tpu.matmul %convert_element_type3A_16, %slice3A, %dot_general3A_17 {dimension_numbers = #tpu.dot_dimension_numbers<[1], [0], [0], [1], [0, 0, 1, 1], [], []>, transpose_lhs_hint = false} : vector<1000x128xbf16>, vector<128x768xbf16>, vector<1000x768xf32> -> vector<1000x768xf32>
    %get3A_19 = arith.constant 0 : index
    %get3A_20 = arith.constant 0 : index
    %get3A_21 = vector.load %arg2[%get3A_19, %get3A_20] : memref<1000x128xf32, #tpu.memory_space<vmem>>, vector<1000x128xf32>
    %convert_element_type3A_22 = arith.truncf %get3A_21 : vector<1000x128xf32> to vector<1000x128xbf16>
    %slice3A_23 = vector.extract_strided_slice %get3A_1 {offsets = [128, 0], sizes = [128, 768], strides = [1, 1]} : vector<256x768xbf16> to vector<128x768xbf16>
    %dot_general3A_24 = arith.constant dense<0.000000e+00> : vector<1000x768xf32>
    %dot_general3A_25 = tpu.matmul %convert_element_type3A_22, %slice3A_23, %dot_general3A_24 {dimension_numbers = #tpu.dot_dimension_numbers<[1], [0], [0], [1], [0, 0, 1, 1], [], []>, transpose_lhs_hint = false} : vector<1000x128xbf16>, vector<128x768xbf16>, vector<1000x768xf32> -> vector<1000x768xf32>
    %add3A_26 = arith.addf %dot_general3A_18, %dot_general3A_25 : vector<1000x768xf32>
    %get3A_27 = arith.constant 0 : index
    %get3A_28 = arith.constant 0 : index
    %get3A_29 = vector.load %arg5[%get3A_27, %get3A_28] : memref<1x768xf32, #tpu.memory_space<vmem>>, vector<1x768xf32>
    %add3A_30 = vector.broadcast %get3A_29 : vector<1x768xf32> to vector<1000x768xf32>
    %add3A_31 = arith.addf %add3A_26, %add3A_30 : vector<1000x768xf32>
    %slice3A_32 = vector.extract_strided_slice %add3A_31 {offsets = [0, 0], sizes = [1000, 256], strides = [1, 1]} : vector<1000x768xf32> to vector<1000x256xf32>
    %slice3A_33 = vector.extract_strided_slice %add3A_12 {offsets = [0, 0], sizes = [1000, 256], strides = [1, 1]} : vector<1000x768xf32> to vector<1000x256xf32>
    %add3A_34 = arith.addf %slice3A_32, %slice3A_33 : vector<1000x256xf32>
    %logistic3A = arith.negf %add3A_34 : vector<1000x256xf32>
    %logistic3A_35 = math.exp %logistic3A : vector<1000x256xf32>
    %logistic3A_36 = arith.constant 1.000000e+00 : f32
    %logistic3A_37 = vector.broadcast %logistic3A_36 : f32 to vector<1000x256xf32>
    %logistic3A_38 = arith.addf %logistic3A_37, %logistic3A_35 : vector<1000x256xf32>
    %logistic3A_39 = arith.divf %logistic3A_37, %logistic3A_38 : vector<1000x256xf32>
    %slice3A_40 = vector.extract_strided_slice %add3A_31 {offsets = [0, 256], sizes = [1000, 256], strides = [1, 1]} : vector<1000x768xf32> to vector<1000x256xf32>
    %slice3A_41 = vector.extract_strided_slice %add3A_12 {offsets = [0, 256], sizes = [1000, 256], strides = [1, 1]} : vector<1000x768xf32> to vector<1000x256xf32>
    %add3A_42 = arith.addf %slice3A_40, %slice3A_41 : vector<1000x256xf32>
    %logistic3A_43 = arith.negf %add3A_42 : vector<1000x256xf32>
    %logistic3A_44 = math.exp %logistic3A_43 : vector<1000x256xf32>
    %logistic3A_45 = arith.constant 1.000000e+00 : f32
    %logistic3A_46 = vector.broadcast %logistic3A_45 : f32 to vector<1000x256xf32>
    %logistic3A_47 = arith.addf %logistic3A_46, %logistic3A_44 : vector<1000x256xf32>
    %logistic3A_48 = arith.divf %logistic3A_46, %logistic3A_47 : vector<1000x256xf32>
    %slice3A_49 = vector.extract_strided_slice %add3A_31 {offsets = [0, 512], sizes = [1000, 256], strides = [1, 1]} : vector<1000x768xf32> to vector<1000x256xf32>
    %slice3A_50 = vector.extract_strided_slice %add3A_12 {offsets = [0, 512], sizes = [1000, 256], strides = [1, 1]} : vector<1000x768xf32> to vector<1000x256xf32>
    %mul3A = arith.mulf %logistic3A_39, %slice3A_50 : vector<1000x256xf32>
    %add3A_51 = arith.addf %slice3A_49, %mul3A : vector<1000x256xf32>
    %tanh3A = math.tanh %add3A_51 : vector<1000x256xf32>
    %sub3A = arith.constant 1.000000e+00 : f32
    %sub3A_52 = vector.broadcast %sub3A : f32 to vector<1000x256xf32>
    %sub3A_53 = arith.subf %sub3A_52, %logistic3A_48 : vector<1000x256xf32>
    %mul3A_54 = arith.mulf %sub3A_53, %tanh3A : vector<1000x256xf32>
    %mul3A_55 = arith.mulf %logistic3A_48, %get3A_4 : vector<1000x256xf32>
    %add3A_56 = arith.addf %mul3A_54, %mul3A_55 : vector<1000x256xf32>
    %get3A_57 = arith.constant 0 : index
    %get3A_58 = arith.constant 0 : index
    %get3A_59 = vector.load %arg8[%get3A_57, %get3A_58] : memref<1000x256xf32, #tpu.memory_space<vmem>>, vector<1000x256xf32>
    %add3A_60 = arith.addf %add3A_56, %get3A_59 : vector<1000x256xf32>
    %swap3A = arith.constant 0 : index
    %swap3A_61 = arith.constant 0 : index
    %swap3A_62 = vector.load %arg9[%swap3A, %swap3A_61] : memref<1000x256xf32, #tpu.memory_space<vmem>>, vector<1000x256xf32>
    tpu.vector_store %arg9[%swap3A, %swap3A_61], %add3A_60 {strides = array<i32>} : memref<1000x256xf32, #tpu.memory_space<vmem>>, vector<1000x256xf32>,
    return
  }
  func.func @transform_0(%arg0: i32) -> (i32, i32) {
    %c0_i32 = arith.constant 0 : i32
    %c0_i32_0 = arith.constant 0 : i32
    return %arg0, %c0_i32 : i32, i32
  }
  func.func @transform_1(%arg0: i32) -> (i32, i32) {
    %c0_i32 = arith.constant 0 : i32
    %c0_i32_0 = arith.constant 0 : i32
    return %arg0, %c0_i32 : i32, i32
  }
  func.func @transform_2(%arg0: i32) -> (i32, i32) {
    %c0_i32 = arith.constant 0 : i32
    %c0_i32_0 = arith.constant 0 : i32
    %c0_i32_1 = arith.constant 0 : i32
    return %c0_i32, %c0_i32_0 : i32, i32
  }
  func.func @transform_3(%arg0: i32) -> (i32, i32) {
    %c0_i32 = arith.constant 0 : i32
    %c0_i32_0 = arith.constant 0 : i32
    %c0_i32_1 = arith.constant 0 : i32
    return %c0_i32, %c0_i32_0 : i32, i32
  }
  func.func @transform_4(%arg0: i32) -> (i32, i32) {
    %c0_i32 = arith.constant 0 : i32
    %c0_i32_0 = arith.constant 0 : i32
    %c0_i32_1 = arith.constant 0 : i32
    return %c0_i32, %c0_i32_0 : i32, i32
  }
  func.func @transform_5(%arg0: i32) -> (i32, i32) {
    %c0_i32 = arith.constant 0 : i32
    %c0_i32_0 = arith.constant 0 : i32
    %c0_i32_1 = arith.constant 0 : i32
    return %c0_i32, %c0_i32_0 : i32, i32
  }
  func.func @transform_6(%arg0: i32) -> (i32, i32) {
    %c0_i32 = arith.constant 0 : i32
    %c0_i32_0 = arith.constant 0 : i32
    return %arg0, %c0_i32 : i32, i32
  }
  func.func @transform_7(%arg0: i32) -> (i32, i32) {
    %c0_i32 = arith.constant 0 : i32
    %c0_i32_0 = arith.constant 0 : i32
    return %arg0, %c0_i32 : i32, i32
  }
  func.func @transform_8(%arg0: i32) -> (i32, i32) {
    %c0_i32 = arith.constant 0 : i32
    %c0_i32_0 = arith.constant 0 : i32
    return %arg0, %c0_i32 : i32, i32
  }
}

</mosaic_0001>

<sc_bundles>
// kernel: kernel.11.cloned.1.call-start
scs
__scs_entry_jumppad:
0x0: {  	(pc) =	sbr.rel $0x88, $3  }
0x1: {  	(tag) =	ssettag $0x0;
	lr =	simm.s32 $0x1  }
0x2: {  	[smem:$0x3F9A] =	sst lr;
	_ =	strace $0xD0000000  }
0x3: {  	_ = 	snop  }
0x4: {  	_ = 	snop  }
0x5: {  	_ = 	snop  }
0x6: {  	_ = 	snop  }
0x7: {  	_ = 	snop  }
__scs_overlays_trampoline_lowered:
0x8: {  	[smem:$0x3FA9] =	sst s0  }
0x9: {  	[smem:$0x3FAA] =	sst s1  }
0xa: {  	[smem:$0x3FAB] =	sst s2  }
0xb: {  	[smem:$0x3FAC] =	sst s3  }
0xc: {  	[smem:$0x3FAD] =	sst s4  }
0xd: {  	[smem:$0x3FAE] =	sst s5  }
0xe: {  	[smem:$0x3FAF] =	sst s6  }
0xf: {  	[smem:$0x3FB0] =	sst s7  }
0x10: {  	[smem:$0x3FB1] =	sst s8  }
0x11: {  	[smem:$0x3FB2] =	sst s9;
	s0 =	simm.s32 @!p0 $0x0  }
0x12: {  	s1 =	sld [smem:$0x3F98];
	s0 =	simm.s32 @p0 $0x1  }
0x13: {  	[smem:$0x3FB3] =	sst s0;
	s0 =	simm.s32 @!p1 $0x0  }
0x14: {  	s2 =	sld [smem:$0x3F97];
	s0 =	simm.s32 @p1 $0x1  }
0x15: {  	[smem:$0x3FB4] =	sst s0;
	s0 =	simm.s32 @!p2 $0x0  }
0x16: {  	s3 =	sld [smem:$0x3FDB];
	s0 =	simm.s32 @p2 $0x1  }
0x17: {  	s4 =	simm.s32 $0x1BF5;
	[smem:$0x3FB6] =	sst s0  }
0x18: {  	s0 =	sld [smem:$0x3F99];
	_ =	swait.ge [sflag:s4], $0x0  }
0x19: {  	s7 =	sld [smem:$0x3F9A]  }
0x1a: {  	s8 =	sadd.s32 $0xFFFFE003, lr  }
0x1b: {  	s9 =	sadd.s32 $0xFFFFFEF7, lr;
	s5 =	simm.s32 $0xFFFFFFFF;
	p2 =	slt.u32 s8, $0xFFFFF086  }
0x1c: {  	p1 =	slt.u32 s9, $0xF7A;
	s5 =	simm.s32 @!p2 $0x0  }
0x1d: {  	s5 =	simm.s32 @p1 $0x1;
	p0 =	seq.s32 s7, s2  }
0x1e: {  	s7 =	smul.u32 @!p0 $0xF7A, s2;
	p2 =	seq.s32 @!p0 s5, $0x0  }
0x1f: {  	s9 =	smul.u32 $0xF7A, s1;
	s8 =	simm.s32 @!p0 $0x1BF5;
	p2 =	por !p2, p0  }
0x20: {  	[sflag:s8] =	ssyncset.s32 @!p0 $0xFFFFF086;
	s6 =	sadd.s32 @!p0 s3, s7;
	s7 =	simm.s32 @!p0 $0x108  }
0x21: {  	s3 =	sadd.s32 s3, s9;
	s6 =	sadd.s32 @!p0 $0x88, s6;
	s7 =	simm.s32 @p2 $0x1082  }
0x22: {  	[simem:s7], [sflag:s8] =	dma.local @!p0 [hbm:s6], $0xF7A  }
0x23: {  	s9 =	sor.u32 $0xD0000000, s2;
	s6 =	simm.s32 $0x108;
	_ =	swait.ge @!p0 [sflag:s8], $0x0  }
0x24: {  	s3 =	sadd.s32 $0x88, s3;
	s6 =	simm.s32 @!p1 $0x1082;
	[sflag:s4] =	ssyncset.s32 $0xFFFFF086  }
0x25: {  	[simem:s6], [sflag:s4] =	dma.local [hbm:s3], $0xF7A  }
0x26: {  	[smem:$0x3F9A] =	sst s1;
	(tag) =	ssettag s2;
	_ =	strace s9  }
0x27: {  	s1 =	sld [smem:$0x3FAA]  }
0x28: {  	s2 =	sld [smem:$0x3FAB]  }
0x29: {  	s4 =	sld [smem:$0x3FAD]  }
0x2a: {  	p0 =	seq.s32 s5, $0x0;
	s5 =	sld [smem:$0x3FAE]  }
0x2b: {  	s6 =	sld [smem:$0x3FAF]  }
0x2c: {  	s7 =	sld [smem:$0x3FB0]  }
0x2d: {  	s3 =	simm.s32 $0x108;
	s8 =	sld [smem:$0x3FB1]  }
0x2e: {  	s3 =	simm.s32 @!p0 $0x1082;
	s9 =	sld [smem:$0x3FB2]  }
0x2f: {  	lr =	sadd.s32 s0, s3;
	s0 =	sld [smem:$0x3FA9]  }
0x30: {  	s3 =	sld [smem:$0x3FAC]  }
0x31: {  	[smem:$0x3FB5] =	sst s10  }
0x32: {  	s10 =	sld [smem:$0x3FB3];
	_ =	sdelay $0x3  }
0x33: {  	p0 =	seq.s32 s10, $0x1;
	s10 =	sld [smem:$0x3FB5];
	_ =	sdelay $0x3  }
0x34: {  	[smem:$0x3FB5] =	sst s10  }
0x35: {  	s10 =	sld [smem:$0x3FB4];
	_ =	sdelay $0x3  }
0x36: {  	p1 =	seq.s32 s10, $0x1;
	s10 =	sld [smem:$0x3FB5];
	_ =	sdelay $0x3  }
0x37: {  	[smem:$0x3FB5] =	sst s10  }
0x38: {  	s10 =	sld [smem:$0x3FB6]  }
0x39: {  	_ = 	snop;
	(pc) =	sbr.ind lr, $3  }
0x3a: {  	_ = 	snop  }
0x3b: {  	_ = 	snop  }
0x3c: {  	p2 =	seq.s32 s10, $0x1;
	s10 =	sld [smem:$0x3FB5]  }
0x3d: {  	_ =	shalt  }
0x3e: {  	_ =	shalt  }
0x3f: {  	_ =	shalt  }
0x40: {  	_ =	shalt  }
0x41: {  	_ =	shalt  }
0x42: {  	_ =	shalt  }
0x43: {  	_ =	shalt  }
0x44: {  	_ =	shalt  }
0x45: {  	_ =	shalt  }
0x46: {  	_ =	shalt  }
0x47: {  	_ =	shalt  }
0x48: {  	_ =	shalt  }
0x49: {  	_ =	shalt  }
0x4a: {  	_ =	shalt  }
0x4b: {  	_ =	shalt  }
0x4c: {  	_ =	shalt  }
0x4d: {  	_ =	shalt  }
0x4e: {  	_ =	shalt  }
0x4f: {  	_ =	shalt  }
0x50: {  	_ =	shalt  }
0x51: {  	_ =	shalt  }
0x52: {  	_ =	shalt  }
0x53: {  	_ =	shalt  }
0x54: {  	_ =	shalt  }
0x55: {  	_ =	shalt  }
0x56: {  	_ =	shalt  }
0x57: {  	_ =	shalt  }
0x58: {  	_ =	shalt  }
0x59: {  	_ =	shalt  }
0x5a: {  	_ =	shalt  }
0x5b: {  	_ =	shalt  }
0x5c: {  	_ =	shalt  }
0x5d: {  	_ =	shalt  }
0x5e: {  	_ =	shalt  }
0x5f: {  	_ =	shalt  }
0x60: {  	_ =	shalt  }
0x61: {  	_ =	shalt  }
0x62: {  	_ =	shalt  }
0x63: {  	_ =	shalt  }
0x64: {  	_ =	shalt  }
0x65: {  	_ =	shalt  }
0x66: {  	_ =	shalt  }
0x67: {  	_ =	shalt  }
0x68: {  	_ =	shalt  }
0x69: {  	_ =	shalt  }
0x6a: {  	_ =	shalt  }
0x6b: {  	_ =	shalt  }
0x6c: {  	_ =	shalt  }
0x6d: {  	_ =	shalt  }
0x6e: {  	_ =	shalt  }
0x6f: {  	_ =	shalt  }
0x70: {  	_ =	shalt  }
0x71: {  	_ =	shalt  }
0x72: {  	_ =	shalt  }
0x73: {  	_ =	shalt  }
0x74: {  	_ =	shalt  }
0x75: {  	_ =	shalt  }
0x76: {  	_ =	shalt  }
0x77: {  	_ =	shalt  }
0x78: {  	_ =	shalt  }
0x79: {  	_ =	shalt  }
0x7a: {  	_ =	shalt  }
0x7b: {  	_ =	shalt  }
0x7c: {  	_ =	shalt  }
0x7d: {  	_ =	shalt  }
0x7e: {  	_ =	shalt  }
0x7f: {  	_ =	shalt  }
0x80: {  	_ =	shalt  }
0x81: {  	_ =	shalt  }
0x82: {  	_ =	shalt  }
0x83: {  	_ =	shalt  }
0x84: {  	_ =	shalt  }
0x85: {  	_ =	shalt  }
0x86: {  	_ =	shalt  }
0x87: {  	_ =	shalt  }
.Lfunc_end0:
.L_simem_size_0:
called_computation_lowered:
.L_overlay_start_0:
0x88: {  	s2 =	sld [smem:$0x3FD9]  }
0x89: {  	s3 =	sld [smem:$0x3FFE];
	_ =	sdelay $0x1  }
0x8a: {  	s1 =	srdreg.scid  }
0x8b: {  	s0 =	sand.u32 $0x1, s1  }
0x8c: {  	s17 =	sshll.u32 s0, $0xA;
	s2 =	sadd.s32 s3, s2  }
0x8d: {  	s2 =	sadd.s32 s2, s17  }
0x8e: {  	[smem:$0x3FC1] =	sst s2  }
0x8f: {  	_ = 	snop  }
0x90: {  	s2 =	sld [smem:$0x3FD0];
	(tm) =	ssettm $0x1  }
0x91: {  	s18 =	sld [smem:$0x3FFB];
	_ =	sdelay $0x3  }
0x92: {  	_ =	strace s18  }
0x93: {  	s3 =	sld [smem:$0x3FFC];
	_ =	sdelay $0x3  }
0x94: {  	_ =	strace s3  }
0x95: {  	s3 =	sld [smem:$0x3FFD];
	_ =	sdelay $0x3  }
0x96: {  	_ =	strace s3  }
0x97: {  	_ =	strace $0x8FFFFFFF  }
0x98: {  	s19 =	sld [smem:$0x3FDB];
	_ =	sdelay $0x1  }
0x99: {  	s4 =	simm.s32 $_scs_section_size  }
0x9a: {  	s5 =	simm.s32 $_size__tile_overlayer_lowered;
	s6 =	simm.s32 $_tile_overlayer_lowered  }
0x9b: {  	s22 =	simm.s32 $0x1BFF;
	s21 =	sshll.u32 s6, $0x1;
	s3 =	sadd.s32 s4, s19  }
0x9c: {  	s7 =	simm.s32 $0x0;
	s20 =	sshll.u32 s5, $0x1;
	s5 =	sadd.s32 s21, s3  }
0x9d: {  	[timem:s7], [sflag:s22] =	dma.local [hbm:s5], s20  }
0x9e: {  	_ =	swait.ge [sflag:s22], s20  }
0x9f: {  	s4 =	ssub.s32 $0x0, s20;
	[sflag:s22] =	ssyncset.done $0x0  }
0xa0: {  	[sflag:s22] =	ssyncadd.s32 s4;
	_ =	sdelay $0x1  }
0xa1: {  	s23 =	simm.s32 $0x1B8B  }
0xa2: {  	_ =	swait.ge [sflag:s23], $0x1  }
0xa3: {  	[sflag:s23] =	ssyncset.done $0x0  }
0xa4: {  	s25 =	simm.s32 $0x1B8E;
	s24 =	sld [smem:$0x3FFE];
	[sflag:s23] =	ssyncadd.s32 $0xFFFFFFFF  }
0xa5: {  	s26 =	simm.s32 $execute0_lowered;
	[smem:$0x3FD2] =	sst s25  }
0xa6: {  	s5 =	sshll.u32 s26, $0x1;
	_ =	strace $0x80000046;
	[dreg:$0x1] =	wrdreg $0xFFFFFFFF  }
0xa7: {  	s28 =	simm.s32 $_size_execute0_lowered;
	s3 =	sadd.s32 s3, s5;
	[dreg:$0x0] =	wrdreg $0x0  }
0xa8: {  	s5 =	sshll.u32 s28, $0x1;
	[dreg:$0x2] =	wrdreg s3  }
0xa9: {  	[dreg:$0x3] =	wrdreg s5  }
0xaa: {  	[dreg:$0x4] =	wrdreg $0xC0  }
0xab: {  	_ =	task [dreg:s7], $0x5FFFF  }
0xac: {  	[dreg:$0x1] =	wrdreg $0xFFFFFFFF  }
0xad: {  	[dreg:$0x0] =	wrdreg $0x60  }
0xae: {  	[dreg:$0x2] =	wrdreg s24  }
0xaf: {  	[dreg:$0x3] =	wrdreg s2  }
0xb0: {  	[dreg:$0x4] =	wrdreg $0xB0000  }
0xb1: {  	[dreg:$0x5] =	wrdreg $0x9  }
0xb2: {  	_ =	task.clear_ibuf [dreg:s7], $0x6FFFF;
	_ =	strace $0x90000046  }
0xb3: {  	s29 =	simm.s32 $0x9;
	_ =	strace $0x80000048  }
0xb4: {  	_ =	swait.ge [sflag:s29], $0x1  }
0xb5: {  	[sflag:s29] =	ssyncadd.s32 $0xFFFFFFFF  }
0xb6: {  	_ =	strace $0x90000048  }
0xb7: {  	_ =	sfence  }
0xb8: {  	s30 =	sld [smem:$0x0];
	_ =	sdelay $0x2  }
0xb9: {  	s31 =	sshll.u32 s1, $0xD;
	s1 =	sshrl.u32 s1, $0x2  }
0xba: {  	s3 =	sand.u32 $0x4000, s31;
	s1 =	sadd.s32 s1, s30  }
0xbb: {  	s0 =	sor.u32 s3, s0;
	s1 =	sshll.u32 s1, $0x11  }
0xbc: {  	s0 =	sor.u32 s1, s0  }
0xbd: {  	s0 =	sadd.s32 $0x8F2B, s0  }
0xbe: {  	[sflag:s0] =	ssyncadd.remote.s32 $0x1  }
0xbf: {  	_ =	sfence.sel $0xFFFF  }
0xc0: {  	[dreg:$0x0] =	wrdreg $0xFFFFFFFF;
	(pc) =	sbr.abs _section_cstart, $3  }
0xc1: {  	[dreg:$0x1] =	wrdreg $0xFFFFFFFF  }
0xc2: {  	_ =	task.clear_ibuf [dreg:s7], $0x2FFFF;
	_ =	strace $0x9FFFFFFF  }
0xc3: {  	(tm) =	ssettm $0x7FFFFFFF  }
tec
execute0_lowered:
.L_overlay_start_1:
0x0: {  	(tag) =	ssettag $0x1  }
0x1: {  	s6 =	rddreg [dreg:$0x0]  }
0x2: {  	s9 =	rddreg [dreg:$0x1]  }
0x3: {  	s1 =	rddreg [dreg:$0x2];
	s3 =	simm.s32 $0x0  }
0x4: {  	s2 =	stileid.u32;
	s7 =	srdreg.scid;
	s16 =	simm.s32 $0x7000  }
0x5: {  	s17 =	simm.s32 $0x80;
	s18 =	simm.s32 $0x9000;
	s19 =	simm.s32 $0x1  }
0x6: {  	s20 =	simm.s32 $0x4;
	s21 =	simm.s32 $0x2;
	s22 =	simm.s32 $0x5  }
0x7: {  	s23 =	simm.s32 $0x3;
	s24 =	simm.s32 $0x6;
	s25 =	simm.s32 $0x4F00  }
0x8: {  	s26 =	simm.s32 $0x4F40;
	s28 =	simm.s32 $0x4F80;
	s29 =	simm.s32 $0x0  }
0x9: {  	[smem:$0x7FF] =	sst s3;
	s10 =	sadd.s32 $0xDC00, s6;
	s5 =	smul.u32 $0x500, s2  }
0xa: {  	s4 =	sadd.s32 $0x34E00, s6;
	s7 =	sand.u32 $0x1, s7;
	s8 =	smul.u32 $0x50000, s2  }
0xb: {  	s13 =	sadd.s32 $0x5E800, s6;
	s31 =	sshll.u32 s2, $0x6;
	s15 =	smul.u32 $0x2800, s2  }
0xc: {  	_ =	strace $0x80000047;
	s12 =	ssub.s32 $0x2, s7;
	p0 =	seq.s32 s7, $0x0  }
0xd: {  	s11 =	sadd.s32 s5, s6;
	s5 =	sadd.s32 $0x5C000, s6;
	s30 =	sshrl.u32 s12, $0x1  }
0xe: {  	s8 =	sshrl.u32 s8, $0x2;
	s6 =	sor.u32 $0x1C07, s31;
	s13 =	smov.u32 @p0 s9  }
0xf: {  	s4 =	smov.u32 @p0 s10;
	s12 =	ssub.s32 s12, s30;
	s14 =	sadd.s32 s8, s1  }
0x10: {  	s7 =	sadd.s32 $0x8C00, s11;
	s8 =	sadd.s32 $0x3C00, s11;
	s10 =	sadd.s32 s13, s15  }
0x11: {  	s13 =	simm.s32 $0x2800;
	s15 =	simm.s32 $0x5000;
	s9 =	smax.u32 s12, $0x1  }
0x12: {  	s11 =	sshrl.u32 s14, $0x3;
	s12 =	simm.s32 $0x7;
	s14 =	simm.s32 $0x40  }
.LBB2_1:
0x13: {  	[spmem:s11], [sflag:s6] =	dma.local [hbm:s5], $0x2800  }
0x14: {  	_ =	swait.ge [sflag:s12], $0x2800  }
0x15: {  	[sflag:s12] =	ssyncset.done $0x0  }
0x16: {  	[sflag:s12] =	ssyncadd.s32 $0xFFFFD800  }
0x17: {  	[tilespmem:s3], [sflag:$0x7] =	stream.linear.gather [hbm4b:s7+s3], $0x2800, $0x38;
	[tilespmem:$0x1F000] =	vst v63  }
0x18: {  	_ =	swait.ge [sflag:s12], $0x2800  }
0x19: {  	[sflag:s12] =	ssyncset.done $0x0  }
0x1a: {  	[sflag:s12] =	ssyncadd.s32 $0xFFFFD800  }
0x1b: {  	[tilespmem:s13], [sflag:$0x7] =	stream.linear.gather [hbm4b:s8+s3], $0x2800, $0x38;
	[tilespmem:$0x1F000] =	vst v63  }
0x1c: {  	_ =	swait.ge [sflag:s12], $0x2800  }
0x1d: {  	[sflag:s12] =	ssyncset.done $0x0  }
0x1e: {  	[sflag:s12] =	ssyncadd.s32 $0xFFFFD800  }
0x1f: {  	[bflag:$0x0] =	sbarrier.arrive $0xFFFF  }
0x20: {  	[tilespmem:s15], [sflag:$0x1] =	stream.indirect.gather [hbm4b:s4+s14], $0x80, s3, s14, $0xb8;
	[tilespmem:$0x1F000] =	vst v63  }
0x21: {  	_ = 	snop  }
0x22: {  	[tilespmem:s16], [sflag:$0x2] =	stream.indirect.gather [hbm4b:s4+s14], $0x80, s14, s14, $0xb8;
	[tilespmem:$0x1F000] =	vst v63  }
0x23: {  	_ = 	snop  }
0x24: {  	[tilespmem:s18], [sflag:$0x3] =	stream.indirect.gather [hbm4b:s4+s14], $0x80, s17, s14, $0xb8;
	[tilespmem:$0x1F000] =	vst v63  }
0x25: {  	_ =	swait.ge [sflag:s19], $0x2000  }
0x26: {  	[sflag:s19] =	ssyncset.done $0x0  }
0x27: {  	s30 =	simm.s32 $0x2800;
	[sflag:s19] =	ssyncadd.s32 $0xFFFFE000  }
0x28: {  	[spmem:s1] =	stream.indirect.scatter.add.f32 [tilespmem:s15], [sflag:$0x4], $0x80, s30, s14, $0xb8;
	[tilespmem:$0x1F000] =	vst v63  }
0x29: {  	_ =	swait.ge [sflag:s20], $0x2000  }
0x2a: {  	[sflag:s20] =	ssyncset.done $0x0  }
0x2b: {  	s30 =	simm.s32 $0xC0;
	[sflag:s20] =	ssyncadd.s32 $0xFFFFE000  }
0x2c: {  	[tilespmem:s15], [sflag:$0x1] =	stream.indirect.gather [hbm4b:s4+s14], $0x80, s30, s14, $0xb8;
	[tilespmem:$0x1F000] =	vst v63  }
0x2d: {  	_ =	swait.ge [sflag:s21], $0x2000  }
0x2e: {  	[sflag:s21] =	ssyncset.done $0x0  }
0x2f: {  	s30 =	simm.s32 $0x2840;
	[sflag:s21] =	ssyncadd.s32 $0xFFFFE000  }
0x30: {  	[spmem:s1] =	stream.indirect.scatter.add.f32 [tilespmem:s16], [sflag:$0x5], $0x80, s30, s14, $0xb8;
	[tilespmem:$0x1F000] =	vst v63  }
0x31: {  	_ =	swait.ge [sflag:s22], $0x2000  }
0x32: {  	[sflag:s22] =	ssyncset.done $0x0  }
0x33: {  	s30 =	simm.s32 $0x100;
	[sflag:s22] =	ssyncadd.s32 $0xFFFFE000  }
0x34: {  	[tilespmem:s16], [sflag:$0x2] =	stream.indirect.gather [hbm4b:s4+s14], $0x80, s30, s14, $0xb8;
	[tilespmem:$0x1F000] =	vst v63  }
0x35: {  	_ =	swait.ge [sflag:s23], $0x2000  }
0x36: {  	[sflag:s23] =	ssyncset.done $0x0  }
0x37: {  	s30 =	simm.s32 $0x2880;
	[sflag:s23] =	ssyncadd.s32 $0xFFFFE000  }
0x38: {  	[spmem:s1] =	stream.indirect.scatter.add.f32 [tilespmem:s18], [sflag:$0x6], $0x80, s30, s14, $0xb8;
	[tilespmem:$0x1F000] =	vst v63  }
0x39: {  	_ =	swait.ge [sflag:s24], $0x2000  }
0x3a: {  	[sflag:s24] =	ssyncset.done $0x0  }
0x3b: {  	s31 =	simm.s32 $0x140;
	s30 =	simm.s32 $0x300;
	[sflag:s24] =	ssyncadd.s32 $0xFFFFE000  }
.LBB2_2:
0x3c: {  	[tilespmem:s18], [sflag:$0x3] =	stream.indirect.gather [hbm4b:s4+s14], $0x80, s31, s14, $0xb8;
	[tilespmem:$0x1F000] =	vst v63  }
0x3d: {  	s31 =	smov.u32 s30  }
0x3e: {  	p0 =	sne.s32 s30, $0x9900;
	s30 =	sadd.s32 $0x300, s30;
	_ =	swait.ge [sflag:s19], $0x2000  }
0x3f: {  	s31 =	sshra.s32 s31, $0x2;
	[sflag:s19] =	ssyncset.done $0x0  }
0x40: {  	s0 =	sadd.s32 $0x2800, s31;
	[sflag:s19] =	ssyncadd.s32 $0xFFFFE000  }
0x41: {  	[spmem:s1] =	stream.indirect.scatter.add.f32 [tilespmem:s15], [sflag:$0x4], $0x80, s0, s14, $0xb8;
	[tilespmem:$0x1F000] =	vst v63  }
0x42: {  	_ =	swait.ge [sflag:s20], $0x2000  }
0x43: {  	[sflag:s20] =	ssyncset.done $0x0  }
0x44: {  	s0 =	sadd.s32 $0xC0, s31;
	[sflag:s20] =	ssyncadd.s32 $0xFFFFE000  }
0x45: {  	[tilespmem:s15], [sflag:$0x1] =	stream.indirect.gather [hbm4b:s4+s14], $0x80, s0, s14, $0xb8;
	[tilespmem:$0x1F000] =	vst v63  }
0x46: {  	_ =	swait.ge [sflag:s21], $0x2000  }
0x47: {  	[sflag:s21] =	ssyncset.done $0x0  }
0x48: {  	s0 =	sadd.s32 $0x2840, s31;
	[sflag:s21] =	ssyncadd.s32 $0xFFFFE000  }
0x49: {  	[spmem:s1] =	stream.indirect.scatter.add.f32 [tilespmem:s16], [sflag:$0x5], $0x80, s0, s14, $0xb8;
	[tilespmem:$0x1F000] =	vst v63  }
0x4a: {  	_ =	swait.ge [sflag:s22], $0x2000  }
0x4b: {  	[sflag:s22] =	ssyncset.done $0x0  }
0x4c: {  	s0 =	sadd.s32 $0x100, s31;
	[sflag:s22] =	ssyncadd.s32 $0xFFFFE000  }
0x4d: {  	[tilespmem:s16], [sflag:$0x2] =	stream.indirect.gather [hbm4b:s4+s14], $0x80, s0, s14, $0xb8;
	[tilespmem:$0x1F000] =	vst v63  }
0x4e: {  	_ =	swait.ge [sflag:s23], $0x2000  }
0x4f: {  	[sflag:s23] =	ssyncset.done $0x0  }
.Ltmp0:
0x50: {  	s0 =	sadd.s32 $0x2880, s31;
	[sflag:s23] =	ssyncadd.s32 $0xFFFFE000;
	(pc) =	sbr.rel @p0 .LBB2_2-.Ltmp0, $4  }
0x51: {  	[spmem:s1] =	stream.indirect.scatter.add.f32 [tilespmem:s18], [sflag:$0x6], $0x80, s0, s14, $0xb8;
	[tilespmem:$0x1F000] =	vst v63  }
0x52: {  	_ =	swait.ge [sflag:s24], $0x2000  }
0x53: {  	[sflag:s24] =	ssyncset.done $0x0  }
0x54: {  	s31 =	sadd.s32 $0x140, s31;
	[sflag:s24] =	ssyncadd.s32 $0xFFFFE000  }
0x55: {  	[tilespmem:s18], [sflag:$0x3] =	stream.indirect.gather [hbm4b:s4+s14], $0x80, s31, s14, $0xb8;
	[tilespmem:$0x1F000] =	vst v63  }
0x56: {  	_ =	swait.ge [sflag:s19], $0x2000  }
0x57: {  	[sflag:s19] =	ssyncset.done $0x0  }
0x58: {  	[sflag:s19] =	ssyncadd.s32 $0xFFFFE000  }
0x59: {  	[spmem:s1] =	stream.indirect.scatter.add.f32 [tilespmem:s15], [sflag:$0x4], $0x80, s25, s14, $0xb8;
	[tilespmem:$0x1F000] =	vst v63  }
0x5a: {  	_ =	swait.ge [sflag:s21], $0x2000  }
0x5b: {  	[sflag:s21] =	ssyncset.done $0x0  }
0x5c: {  	[sflag:s21] =	ssyncadd.s32 $0xFFFFE000  }
0x5d: {  	[spmem:s1] =	stream.indirect.scatter.add.f32 [tilespmem:s16], [sflag:$0x5], $0x80, s26, s14, $0xb8;
	[tilespmem:$0x1F000] =	vst v63  }
0x5e: {  	_ =	swait.ge [sflag:s23], $0x2000  }
0x5f: {  	[sflag:s23] =	ssyncset.done $0x0  }
0x60: {  	[sflag:s23] =	ssyncadd.s32 $0xFFFFE000  }
0x61: {  	[spmem:s1] =	stream.indirect.scatter.add.f32 [tilespmem:s18], [sflag:$0x6], $0x80, s28, s14, $0xb8;
	[tilespmem:$0x1F000] =	vst v63  }
0x62: {  	_ =	swait.ge [sflag:s20], $0x2000  }
0x63: {  	[sflag:s20] =	ssyncset.done $0x0  }
0x64: {  	[sflag:s20] =	ssyncadd.s32 $0xFFFFE000  }
0x65: {  	_ =	swait.ge [sflag:s22], $0x2000  }
0x66: {  	[sflag:s22] =	ssyncset.done $0x0  }
0x67: {  	[sflag:s22] =	ssyncadd.s32 $0xFFFFE000  }
0x68: {  	_ =	swait.ge [sflag:s24], $0x2000  }
0x69: {  	s29 =	sadd.s32 $0x1, s29;
	[sflag:s24] =	ssyncset.done $0x0  }
0x6a: {  	p0 =	sne.s32 s29, s9;
	[sflag:s24] =	ssyncadd.s32 $0xFFFFE000  }
.Ltmp1:
0x6b: {  	[bflag:$0x0] =	sbarrier.arrive $0xFFFF;
	(pc) =	sbr.rel @p0 .LBB2_1-.Ltmp1, $4  }
0x6c: {  	[hbm:s10], [sflag:s6] =	dma.local [spmem:s11], $0x2800  }
0x6d: {  	_ =	swait.ge [sflag:s12], $0x2800  }
0x6e: {  	[sflag:s12] =	ssyncset.done $0x0  }
0x6f: {  	[sflag:s12] =	ssyncadd.s32 $0xFFFFD800  }
0x70: {  	_ =	sfence.sel $0x180000  }
0x71: {  	[bflag:$0x0] =	sbarrier.arrive $0xFFFF  }
0x72: {  	_ =	strace $0x90000047  }
0x73: {  	[bflag:$0x2] =	sbarrier.arrive $0xFFFF  }
0x74: {  	p0 =	sne.s32 s2, $0x0;
	s0 =	rddreg [dreg:$0x3]  }
0x75: {  	s0 =	sadd.s32 @!p0 $0x100000, s0  }
0x76: {  	[sflag:s0] =	ssyncadd.tile.s32 @!p0 $0x1;
	_ =	shalt  }
.Lfunc_end2:
_tile_overlayer_lowered:
.L_overlay_start_2:
0x77: {  	(tag) =	ssettag $0x2  }
0x78: {  	s0 =	rddreg [dreg:$0x0];
	s2 =	stileid.u32  }
0x79: {  	s1 =	rddreg [dreg:$0x1];
	p0 =	sne.s32 s2, $0x0  }
0x7a: {  	s3 =	rddreg [dreg:$0x2];
	[bflag:$0x3] =	sbarrier.arrive $0xFFFF;
	s2 =	simm.s32 @!p0 $0x1C07  }
0x7b: {  	[timem:s3], [sflag:s2] =	dma.local @!p0 [hbm:s0], s1  }
0x7c: {  	s0 =	simm.s32 @!p0 $0x7  }
0x7d: {  	_ =	swait.ge @!p0 [sflag:s0], s1  }
0x7e: {  	s1 =	ssub.s32 @!p0 $0x0, s1;
	[sflag:s0] =	ssyncset.done @!p0 $0x0  }
0x7f: {  	[sflag:s0] =	ssyncadd.s32 @!p0 s1  }
0x80: {  	[bflag:$0x3] =	sbarrier.arrive $0xFFFF  }
0x81: {  	_ =	shalt  }

// kernel: kernel.14.cloned.1.call-start
scs
__scs_entry_jumppad:
0x0: {  	(pc) =	sbr.rel $0x88, $3  }
0x1: {  	(tag) =	ssettag $0x0;
	lr =	simm.s32 $0x1  }
0x2: {  	[smem:$0x3F9A] =	sst lr;
	_ =	strace $0xD0000000  }
0x3: {  	_ = 	snop  }
0x4: {  	_ = 	snop  }
0x5: {  	_ = 	snop  }
0x6: {  	_ = 	snop  }
0x7: {  	_ = 	snop  }
__scs_overlays_trampoline_lowered:
0x8: {  	[smem:$0x3FA9] =	sst s0  }
0x9: {  	[smem:$0x3FAA] =	sst s1  }
0xa: {  	[smem:$0x3FAB] =	sst s2  }
0xb: {  	[smem:$0x3FAC] =	sst s3  }
0xc: {  	[smem:$0x3FAD] =	sst s4  }
0xd: {  	[smem:$0x3FAE] =	sst s5  }
0xe: {  	[smem:$0x3FAF] =	sst s6  }
0xf: {  	[smem:$0x3FB0] =	sst s7  }
0x10: {  	[smem:$0x3FB1] =	sst s8  }
0x11: {  	[smem:$0x3FB2] =	sst s9;
	s0 =	simm.s32 @!p0 $0x0  }
0x12: {  	s1 =	sld [smem:$0x3F98];
	s0 =	simm.s32 @p0 $0x1  }
0x13: {  	[smem:$0x3FB3] =	sst s0;
	s0 =	simm.s32 @!p1 $0x0  }
0x14: {  	s2 =	sld [smem:$0x3F97];
	s0 =	simm.s32 @p1 $0x1  }
0x15: {  	[smem:$0x3FB4] =	sst s0;
	s0 =	simm.s32 @!p2 $0x0  }
0x16: {  	s3 =	sld [smem:$0x3FDB];
	s0 =	simm.s32 @p2 $0x1  }
0x17: {  	s4 =	simm.s32 $0x1BF5;
	[smem:$0x3FB6] =	sst s0  }
0x18: {  	s0 =	sld [smem:$0x3F99];
	_ =	swait.ge [sflag:s4], $0x0  }
0x19: {  	s7 =	sld [smem:$0x3F9A]  }
0x1a: {  	s8 =	sadd.s32 $0xFFFFE003, lr  }
0x1b: {  	s9 =	sadd.s32 $0xFFFFFEF7, lr;
	s5 =	simm.s32 $0xFFFFFFFF;
	p2 =	slt.u32 s8, $0xFFFFF086  }
0x1c: {  	p1 =	slt.u32 s9, $0xF7A;
	s5 =	simm.s32 @!p2 $0x0  }
0x1d: {  	s5 =	simm.s32 @p1 $0x1;
	p0 =	seq.s32 s7, s2  }
0x1e: {  	s7 =	smul.u32 @!p0 $0xF7A, s2;
	p2 =	seq.s32 @!p0 s5, $0x0  }
0x1f: {  	s9 =	smul.u32 $0xF7A, s1;
	s8 =	simm.s32 @!p0 $0x1BF5;
	p2 =	por !p2, p0  }
0x20: {  	[sflag:s8] =	ssyncset.s32 @!p0 $0xFFFFF086;
	s6 =	sadd.s32 @!p0 s3, s7;
	s7 =	simm.s32 @!p0 $0x108  }
0x21: {  	s3 =	sadd.s32 s3, s9;
	s6 =	sadd.s32 @!p0 $0x88, s6;
	s7 =	simm.s32 @p2 $0x1082  }
0x22: {  	[simem:s7], [sflag:s8] =	dma.local @!p0 [hbm:s6], $0xF7A  }
0x23: {  	s9 =	sor.u32 $0xD0000000, s2;
	s6 =	simm.s32 $0x108;
	_ =	swait.ge @!p0 [sflag:s8], $0x0  }
0x24: {  	s3 =	sadd.s32 $0x88, s3;
	s6 =	simm.s32 @!p1 $0x1082;
	[sflag:s4] =	ssyncset.s32 $0xFFFFF086  }
0x25: {  	[simem:s6], [sflag:s4] =	dma.local [hbm:s3], $0xF7A  }
0x26: {  	[smem:$0x3F9A] =	sst s1;
	(tag) =	ssettag s2;
	_ =	strace s9  }
0x27: {  	s1 =	sld [smem:$0x3FAA]  }
0x28: {  	s2 =	sld [smem:$0x3FAB]  }
0x29: {  	s4 =	sld [smem:$0x3FAD]  }
0x2a: {  	p0 =	seq.s32 s5, $0x0;
	s5 =	sld [smem:$0x3FAE]  }
0x2b: {  	s6 =	sld [smem:$0x3FAF]  }
0x2c: {  	s7 =	sld [smem:$0x3FB0]  }
0x2d: {  	s3 =	simm.s32 $0x108;
	s8 =	sld [smem:$0x3FB1]  }
0x2e: {  	s3 =	simm.s32 @!p0 $0x1082;
	s9 =	sld [smem:$0x3FB2]  }
0x2f: {  	lr =	sadd.s32 s0, s3;
	s0 =	sld [smem:$0x3FA9]  }
0x30: {  	s3 =	sld [smem:$0x3FAC]  }
0x31: {  	[smem:$0x3FB5] =	sst s10  }
0x32: {  	s10 =	sld [smem:$0x3FB3];
	_ =	sdelay $0x3  }
0x33: {  	p0 =	seq.s32 s10, $0x1;
	s10 =	sld [smem:$0x3FB5];
	_ =	sdelay $0x3  }
0x34: {  	[smem:$0x3FB5] =	sst s10  }
0x35: {  	s10 =	sld [smem:$0x3FB4];
	_ =	sdelay $0x3  }
0x36: {  	p1 =	seq.s32 s10, $0x1;
	s10 =	sld [smem:$0x3FB5];
	_ =	sdelay $0x3  }
0x37: {  	[smem:$0x3FB5] =	sst s10  }
0x38: {  	s10 =	sld [smem:$0x3FB6]  }
0x39: {  	_ = 	snop;
	(pc) =	sbr.ind lr, $3  }
0x3a: {  	_ = 	snop  }
0x3b: {  	_ = 	snop  }
0x3c: {  	p2 =	seq.s32 s10, $0x1;
	s10 =	sld [smem:$0x3FB5]  }
0x3d: {  	_ =	shalt  }
0x3e: {  	_ =	shalt  }
0x3f: {  	_ =	shalt  }
0x40: {  	_ =	shalt  }
0x41: {  	_ =	shalt  }
0x42: {  	_ =	shalt  }
0x43: {  	_ =	shalt  }
0x44: {  	_ =	shalt  }
0x45: {  	_ =	shalt  }
0x46: {  	_ =	shalt  }
0x47: {  	_ =	shalt  }
0x48: {  	_ =	shalt  }
0x49: {  	_ =	shalt  }
0x4a: {  	_ =	shalt  }
0x4b: {  	_ =	shalt  }
0x4c: {  	_ =	shalt  }
0x4d: {  	_ =	shalt  }
0x4e: {  	_ =	shalt  }
0x4f: {  	_ =	shalt  }
0x50: {  	_ =	shalt  }
0x51: {  	_ =	shalt  }
0x52: {  	_ =	shalt  }
0x53: {  	_ =	shalt  }
0x54: {  	_ =	shalt  }
0x55: {  	_ =	shalt  }
0x56: {  	_ =	shalt  }
0x57: {  	_ =	shalt  }
0x58: {  	_ =	shalt  }
0x59: {  	_ =	shalt  }
0x5a: {  	_ =	shalt  }
0x5b: {  	_ =	shalt  }
0x5c: {  	_ =	shalt  }
0x5d: {  	_ =	shalt  }
0x5e: {  	_ =	shalt  }
0x5f: {  	_ =	shalt  }
0x60: {  	_ =	shalt  }
0x61: {  	_ =	shalt  }
0x62: {  	_ =	shalt  }
0x63: {  	_ =	shalt  }
0x64: {  	_ =	shalt  }
0x65: {  	_ =	shalt  }
0x66: {  	_ =	shalt  }
0x67: {  	_ =	shalt  }
0x68: {  	_ =	shalt  }
0x69: {  	_ =	shalt  }
0x6a: {  	_ =	shalt  }
0x6b: {  	_ =	shalt  }
0x6c: {  	_ =	shalt  }
0x6d: {  	_ =	shalt  }
0x6e: {  	_ =	shalt  }
0x6f: {  	_ =	shalt  }
0x70: {  	_ =	shalt  }
0x71: {  	_ =	shalt  }
0x72: {  	_ =	shalt  }
0x73: {  	_ =	shalt  }
0x74: {  	_ =	shalt  }
0x75: {  	_ =	shalt  }
0x76: {  	_ =	shalt  }
0x77: {  	_ =	shalt  }
0x78: {  	_ =	shalt  }
0x79: {  	_ =	shalt  }
0x7a: {  	_ =	shalt  }
0x7b: {  	_ =	shalt  }
0x7c: {  	_ =	shalt  }
0x7d: {  	_ =	shalt  }
0x7e: {  	_ =	shalt  }
0x7f: {  	_ =	shalt  }
0x80: {  	_ =	shalt  }
0x81: {  	_ =	shalt  }
0x82: {  	_ =	shalt  }
0x83: {  	_ =	shalt  }
0x84: {  	_ =	shalt  }
0x85: {  	_ =	shalt  }
0x86: {  	_ =	shalt  }
0x87: {  	_ =	shalt  }
.Lfunc_end0:
.L_simem_size_0:
called_computation.1_lowered:
.L_overlay_start_0:
0x88: {  	s2 =	sld [smem:$0x3FD9]  }
0x89: {  	s3 =	sld [smem:$0x3FFE];
	_ =	sdelay $0x1  }
0x8a: {  	s1 =	srdreg.scid  }
0x8b: {  	s0 =	sand.u32 $0x1, s1  }
0x8c: {  	s16 =	sshll.u32 s0, $0xA;
	s2 =	sadd.s32 s3, s2  }
0x8d: {  	s2 =	sadd.s32 s2, s16  }
0x8e: {  	[smem:$0x3FC1] =	sst s2  }
0x8f: {  	_ = 	snop  }
0x90: {  	(tm) =	ssettm $0x1  }
0x91: {  	s17 =	sld [smem:$0x3FFB];
	_ =	sdelay $0x3  }
0x92: {  	_ =	strace s17  }
0x93: {  	s2 =	sld [smem:$0x3FFC];
	_ =	sdelay $0x3  }
0x94: {  	_ =	strace s2  }
0x95: {  	s2 =	sld [smem:$0x3FFD];
	_ =	sdelay $0x3  }
0x96: {  	_ =	strace s2  }
0x97: {  	_ =	strace $0x8FFFFFFF  }
0x98: {  	s18 =	sld [smem:$0x3FDB];
	_ =	sdelay $0x1  }
0x99: {  	s19 =	simm.s32 $_scs_section_size  }
0x9a: {  	s4 =	simm.s32 $_size__tile_overlayer_lowered;
	s5 =	simm.s32 $_tile_overlayer_lowered  }
0x9b: {  	s22 =	simm.s32 $0x1BFF;
	s21 =	sshll.u32 s5, $0x1;
	s2 =	sadd.s32 s19, s18  }
0x9c: {  	s6 =	simm.s32 $0x0;
	s20 =	sshll.u32 s4, $0x1;
	s4 =	sadd.s32 s21, s2  }
0x9d: {  	[timem:s6], [sflag:s22] =	dma.local [hbm:s4], s20  }
0x9e: {  	_ =	swait.ge [sflag:s22], s20  }
0x9f: {  	s3 =	ssub.s32 $0x0, s20;
	[sflag:s22] =	ssyncset.done $0x0  }
0xa0: {  	[sflag:s22] =	ssyncadd.s32 s3;
	_ =	sdelay $0x1  }
0xa1: {  	s23 =	simm.s32 $0x1B8B  }
0xa2: {  	_ =	swait.ge [sflag:s23], $0x1  }
0xa3: {  	[sflag:s23] =	ssyncset.done $0x0  }
0xa4: {  	s25 =	simm.s32 $0x1B8E;
	s24 =	sld [smem:$0x3FFE];
	[sflag:s23] =	ssyncadd.s32 $0xFFFFFFFF  }
0xa5: {  	s26 =	simm.s32 $execute0_lowered;
	[smem:$0x3FD2] =	sst s25  }
0xa6: {  	s4 =	sshll.u32 s26, $0x1;
	_ =	strace $0x80000049;
	[dreg:$0x1] =	wrdreg $0xFFFFFFFF  }
0xa7: {  	s28 =	simm.s32 $_size_execute0_lowered;
	s2 =	sadd.s32 s2, s4;
	[dreg:$0x0] =	wrdreg $0x0  }
0xa8: {  	s4 =	sshll.u32 s28, $0x1;
	[dreg:$0x2] =	wrdreg s2  }
0xa9: {  	[dreg:$0x3] =	wrdreg s4  }
0xaa: {  	[dreg:$0x4] =	wrdreg $0xC0  }
0xab: {  	_ =	task [dreg:s6], $0x5FFFF  }
0xac: {  	[dreg:$0x1] =	wrdreg $0xFFFFFFFF  }
0xad: {  	[dreg:$0x0] =	wrdreg $0x60  }
0xae: {  	[dreg:$0x2] =	wrdreg s24  }
0xaf: {  	[dreg:$0x3] =	wrdreg $0xB0000  }
0xb0: {  	[dreg:$0x4] =	wrdreg $0x9  }
0xb1: {  	_ =	task.clear_ibuf [dreg:s6], $0x5FFFF;
	_ =	strace $0x90000049  }
0xb2: {  	s29 =	simm.s32 $0x9;
	_ =	strace $0x8000004B  }
0xb3: {  	_ =	swait.ge [sflag:s29], $0x1  }
0xb4: {  	[sflag:s29] =	ssyncadd.s32 $0xFFFFFFFF  }
0xb5: {  	_ =	strace $0x9000004B  }
0xb6: {  	_ =	sfence  }
0xb7: {  	s30 =	sld [smem:$0x0];
	_ =	sdelay $0x2  }
0xb8: {  	s31 =	sshll.u32 s1, $0xD;
	s1 =	sshrl.u32 s1, $0x2  }
0xb9: {  	s3 =	sand.u32 $0x4000, s31;
	s1 =	sadd.s32 s1, s30  }
0xba: {  	s0 =	sor.u32 s3, s0;
	s1 =	sshll.u32 s1, $0x11  }
0xbb: {  	s0 =	sor.u32 s1, s0  }
0xbc: {  	s0 =	sadd.s32 $0x8F2B, s0  }
0xbd: {  	[sflag:s0] =	ssyncadd.remote.s32 $0x1  }
0xbe: {  	_ =	sfence.sel $0xFFFF  }
0xbf: {  	[dreg:$0x0] =	wrdreg $0xFFFFFFFF;
	(pc) =	sbr.abs _section_cstart, $3  }
0xc0: {  	[dreg:$0x1] =	wrdreg $0xFFFFFFFF  }
0xc1: {  	_ =	task.clear_ibuf [dreg:s6], $0x2FFFF;
	_ =	strace $0x9FFFFFFF  }
0xc2: {  	(tm) =	ssettm $0x7FFFFFFF  }
0xc3: {  	_ =	shalt  }
tec
execute0_lowered:
.L_overlay_start_1:
0x0: {  	(tag) =	ssettag $0x1  }
0x1: {  	s6 =	rddreg [dreg:$0x0]  }
0x2: {  	s2 =	rddreg [dreg:$0x1];
	s3 =	simm.s32 $0x0;
	s1 =	stileid.u32  }
0x3: {  	s7 =	srdreg.scid;
	s16 =	simm.s32 $0x7000;
	s17 =	simm.s32 $0x80  }
0x4: {  	s18 =	simm.s32 $0x9000;
	s19 =	simm.s32 $0x1;
	s20 =	simm.s32 $0x4  }
0x5: {  	s21 =	simm.s32 $0x2;
	s22 =	simm.s32 $0x5;
	s23 =	simm.s32 $0x3  }
0x6: {  	s24 =	simm.s32 $0x6;
	s25 =	simm.s32 $0x4F00;
	s26 =	simm.s32 $0x4F40  }
0x7: {  	s28 =	simm.s32 $0x4F80;
	s29 =	simm.s32 $0x0;
	[smem:$0x7FF] =	sst s3  }
0x8: {  	s5 =	smul.u32 $0x500, s1;
	s10 =	sadd.s32 $0xDC00, s6;
	s4 =	sadd.s32 $0x34E00, s6  }
0x9: {  	s7 =	sand.u32 $0x1, s7;
	s9 =	smul.u32 $0x50000, s1;
	s11 =	sadd.s32 $0x5E800, s6  }
0xa: {  	s13 =	sadd.s32 $0x86800, s6;
	s31 =	sshll.u32 s1, $0x6;
	s15 =	smul.u32 $0x2800, s1  }
0xb: {  	_ =	strace $0x8000004A;
	s12 =	ssub.s32 $0x2, s7;
	p0 =	seq.s32 s7, $0x0  }
0xc: {  	s8 =	sadd.s32 s5, s6;
	s5 =	sadd.s32 $0x5C000, s6;
	s30 =	sshrl.u32 s12, $0x1  }
0xd: {  	s9 =	sshrl.u32 s9, $0x2;
	s6 =	sor.u32 $0x1C07, s31;
	s13 =	smov.u32 @p0 s11  }
0xe: {  	s4 =	smov.u32 @p0 s10;
	s12 =	ssub.s32 s12, s30;
	s14 =	sadd.s32 s9, s2  }
0xf: {  	s7 =	sadd.s32 $0x8C00, s8;
	s8 =	sadd.s32 $0x3C00, s8;
	s10 =	sadd.s32 s13, s15  }
0x10: {  	s13 =	simm.s32 $0x2800;
	s15 =	simm.s32 $0x5000;
	s9 =	smax.u32 s12, $0x1  }
0x11: {  	s11 =	sshrl.u32 s14, $0x3;
	s12 =	simm.s32 $0x7;
	s14 =	simm.s32 $0x40  }
.LBB2_1:
0x12: {  	[spmem:s11], [sflag:s6] =	dma.local [hbm:s5], $0x2800  }
0x13: {  	_ =	swait.ge [sflag:s12], $0x2800  }
0x14: {  	[sflag:s12] =	ssyncset.done $0x0  }
0x15: {  	[sflag:s12] =	ssyncadd.s32 $0xFFFFD800  }
0x16: {  	[tilespmem:s3], [sflag:$0x7] =	stream.linear.gather [hbm4b:s7+s3], $0x2800, $0x38;
	[tilespmem:$0x1F000] =	vst v63  }
0x17: {  	_ =	swait.ge [sflag:s12], $0x2800  }
0x18: {  	[sflag:s12] =	ssyncset.done $0x0  }
0x19: {  	[sflag:s12] =	ssyncadd.s32 $0xFFFFD800  }
0x1a: {  	[tilespmem:s13], [sflag:$0x7] =	stream.linear.gather [hbm4b:s8+s3], $0x2800, $0x38;
	[tilespmem:$0x1F000] =	vst v63  }
0x1b: {  	_ =	swait.ge [sflag:s12], $0x2800  }
0x1c: {  	[sflag:s12] =	ssyncset.done $0x0  }
0x1d: {  	[sflag:s12] =	ssyncadd.s32 $0xFFFFD800  }
0x1e: {  	[bflag:$0x0] =	sbarrier.arrive $0xFFFF  }
0x1f: {  	[tilespmem:s15], [sflag:$0x1] =	stream.indirect.gather [hbm4b:s4+s14], $0x80, s3, s14, $0xb8;
	[tilespmem:$0x1F000] =	vst v63  }
0x20: {  	_ = 	snop  }
0x21: {  	[tilespmem:s16], [sflag:$0x2] =	stream.indirect.gather [hbm4b:s4+s14], $0x80, s14, s14, $0xb8;
	[tilespmem:$0x1F000] =	vst v63  }
0x22: {  	_ = 	snop  }
0x23: {  	[tilespmem:s18], [sflag:$0x3] =	stream.indirect.gather [hbm4b:s4+s14], $0x80, s17, s14, $0xb8;
	[tilespmem:$0x1F000] =	vst v63  }
0x24: {  	_ =	swait.ge [sflag:s19], $0x2000  }
0x25: {  	[sflag:s19] =	ssyncset.done $0x0  }
0x26: {  	s30 =	simm.s32 $0x2800;
	[sflag:s19] =	ssyncadd.s32 $0xFFFFE000  }
0x27: {  	[spmem:s2] =	stream.indirect.scatter.add.f32 [tilespmem:s15], [sflag:$0x4], $0x80, s30, s14, $0xb8;
	[tilespmem:$0x1F000] =	vst v63  }
0x28: {  	_ =	swait.ge [sflag:s20], $0x2000  }
0x29: {  	[sflag:s20] =	ssyncset.done $0x0  }
0x2a: {  	s30 =	simm.s32 $0xC0;
	[sflag:s20] =	ssyncadd.s32 $0xFFFFE000  }
0x2b: {  	[tilespmem:s15], [sflag:$0x1] =	stream.indirect.gather [hbm4b:s4+s14], $0x80, s30, s14, $0xb8;
	[tilespmem:$0x1F000] =	vst v63  }
0x2c: {  	_ =	swait.ge [sflag:s21], $0x2000  }
0x2d: {  	[sflag:s21] =	ssyncset.done $0x0  }
0x2e: {  	s30 =	simm.s32 $0x2840;
	[sflag:s21] =	ssyncadd.s32 $0xFFFFE000  }
0x2f: {  	[spmem:s2] =	stream.indirect.scatter.add.f32 [tilespmem:s16], [sflag:$0x5], $0x80, s30, s14, $0xb8;
	[tilespmem:$0x1F000] =	vst v63  }
0x30: {  	_ =	swait.ge [sflag:s22], $0x2000  }
0x31: {  	[sflag:s22] =	ssyncset.done $0x0  }
0x32: {  	s30 =	simm.s32 $0x100;
	[sflag:s22] =	ssyncadd.s32 $0xFFFFE000  }
0x33: {  	[tilespmem:s16], [sflag:$0x2] =	stream.indirect.gather [hbm4b:s4+s14], $0x80, s30, s14, $0xb8;
	[tilespmem:$0x1F000] =	vst v63  }
0x34: {  	_ =	swait.ge [sflag:s23], $0x2000  }
0x35: {  	[sflag:s23] =	ssyncset.done $0x0  }
0x36: {  	s30 =	simm.s32 $0x2880;
	[sflag:s23] =	ssyncadd.s32 $0xFFFFE000  }
0x37: {  	[spmem:s2] =	stream.indirect.scatter.add.f32 [tilespmem:s18], [sflag:$0x6], $0x80, s30, s14, $0xb8;
	[tilespmem:$0x1F000] =	vst v63  }
0x38: {  	_ =	swait.ge [sflag:s24], $0x2000  }
0x39: {  	[sflag:s24] =	ssyncset.done $0x0  }
0x3a: {  	s31 =	simm.s32 $0x140;
	s30 =	simm.s32 $0x300;
	[sflag:s24] =	ssyncadd.s32 $0xFFFFE000  }
.LBB2_2:
0x3b: {  	[tilespmem:s18], [sflag:$0x3] =	stream.indirect.gather [hbm4b:s4+s14], $0x80, s31, s14, $0xb8;
	[tilespmem:$0x1F000] =	vst v63  }
0x3c: {  	s31 =	smov.u32 s30  }
0x3d: {  	p0 =	sne.s32 s30, $0x9900;
	s30 =	sadd.s32 $0x300, s30;
	_ =	swait.ge [sflag:s19], $0x2000  }
0x3e: {  	s31 =	sshra.s32 s31, $0x2;
	[sflag:s19] =	ssyncset.done $0x0  }
0x3f: {  	s0 =	sadd.s32 $0x2800, s31;
	[sflag:s19] =	ssyncadd.s32 $0xFFFFE000  }
0x40: {  	[spmem:s2] =	stream.indirect.scatter.add.f32 [tilespmem:s15], [sflag:$0x4], $0x80, s0, s14, $0xb8;
	[tilespmem:$0x1F000] =	vst v63  }
0x41: {  	_ =	swait.ge [sflag:s20], $0x2000  }
0x42: {  	[sflag:s20] =	ssyncset.done $0x0  }
0x43: {  	s0 =	sadd.s32 $0xC0, s31;
	[sflag:s20] =	ssyncadd.s32 $0xFFFFE000  }
0x44: {  	[tilespmem:s15], [sflag:$0x1] =	stream.indirect.gather [hbm4b:s4+s14], $0x80, s0, s14, $0xb8;
	[tilespmem:$0x1F000] =	vst v63  }
0x45: {  	_ =	swait.ge [sflag:s21], $0x2000  }
0x46: {  	[sflag:s21] =	ssyncset.done $0x0  }
0x47: {  	s0 =	sadd.s32 $0x2840, s31;
	[sflag:s21] =	ssyncadd.s32 $0xFFFFE000  }
0x48: {  	[spmem:s2] =	stream.indirect.scatter.add.f32 [tilespmem:s16], [sflag:$0x5], $0x80, s0, s14, $0xb8;
	[tilespmem:$0x1F000] =	vst v63  }
0x49: {  	_ =	swait.ge [sflag:s22], $0x2000  }
0x4a: {  	[sflag:s22] =	ssyncset.done $0x0  }
0x4b: {  	s0 =	sadd.s32 $0x100, s31;
	[sflag:s22] =	ssyncadd.s32 $0xFFFFE000  }
0x4c: {  	[tilespmem:s16], [sflag:$0x2] =	stream.indirect.gather [hbm4b:s4+s14], $0x80, s0, s14, $0xb8;
	[tilespmem:$0x1F000] =	vst v63  }
0x4d: {  	_ =	swait.ge [sflag:s23], $0x2000  }
0x4e: {  	[sflag:s23] =	ssyncset.done $0x0  }
.Ltmp0:
0x4f: {  	s0 =	sadd.s32 $0x2880, s31;
	[sflag:s23] =	ssyncadd.s32 $0xFFFFE000;
	(pc) =	sbr.rel @p0 .LBB2_2-.Ltmp0, $4  }
0x50: {  	[spmem:s2] =	stream.indirect.scatter.add.f32 [tilespmem:s18], [sflag:$0x6], $0x80, s0, s14, $0xb8;
	[tilespmem:$0x1F000] =	vst v63  }
0x51: {  	_ =	swait.ge [sflag:s24], $0x2000  }
0x52: {  	[sflag:s24] =	ssyncset.done $0x0  }
0x53: {  	s31 =	sadd.s32 $0x140, s31;
	[sflag:s24] =	ssyncadd.s32 $0xFFFFE000  }
0x54: {  	[tilespmem:s18], [sflag:$0x3] =	stream.indirect.gather [hbm4b:s4+s14], $0x80, s31, s14, $0xb8;
	[tilespmem:$0x1F000] =	vst v63  }
0x55: {  	_ =	swait.ge [sflag:s19], $0x2000  }
0x56: {  	[sflag:s19] =	ssyncset.done $0x0  }
0x57: {  	[sflag:s19] =	ssyncadd.s32 $0xFFFFE000  }
0x58: {  	[spmem:s2] =	stream.indirect.scatter.add.f32 [tilespmem:s15], [sflag:$0x4], $0x80, s25, s14, $0xb8;
	[tilespmem:$0x1F000] =	vst v63  }
0x59: {  	_ =	swait.ge [sflag:s21], $0x2000  }
0x5a: {  	[sflag:s21] =	ssyncset.done $0x0  }
0x5b: {  	[sflag:s21] =	ssyncadd.s32 $0xFFFFE000  }
0x5c: {  	[spmem:s2] =	stream.indirect.scatter.add.f32 [tilespmem:s16], [sflag:$0x5], $0x80, s26, s14, $0xb8;
	[tilespmem:$0x1F000] =	vst v63  }
0x5d: {  	_ =	swait.ge [sflag:s23], $0x2000  }
0x5e: {  	[sflag:s23] =	ssyncset.done $0x0  }
0x5f: {  	[sflag:s23] =	ssyncadd.s32 $0xFFFFE000  }
0x60: {  	[spmem:s2] =	stream.indirect.scatter.add.f32 [tilespmem:s18], [sflag:$0x6], $0x80, s28, s14, $0xb8;
	[tilespmem:$0x1F000] =	vst v63  }
0x61: {  	_ =	swait.ge [sflag:s20], $0x2000  }
0x62: {  	[sflag:s20] =	ssyncset.done $0x0  }
0x63: {  	[sflag:s20] =	ssyncadd.s32 $0xFFFFE000  }
0x64: {  	_ =	swait.ge [sflag:s22], $0x2000  }
0x65: {  	[sflag:s22] =	ssyncset.done $0x0  }
0x66: {  	[sflag:s22] =	ssyncadd.s32 $0xFFFFE000  }
0x67: {  	_ =	swait.ge [sflag:s24], $0x2000  }
0x68: {  	s29 =	sadd.s32 $0x1, s29;
	[sflag:s24] =	ssyncset.done $0x0  }
0x69: {  	p0 =	sne.s32 s29, s9;
	[sflag:s24] =	ssyncadd.s32 $0xFFFFE000  }
.Ltmp1:
0x6a: {  	[bflag:$0x0] =	sbarrier.arrive $0xFFFF;
	(pc) =	sbr.rel @p0 .LBB2_1-.Ltmp1, $4  }
0x6b: {  	[hbm:s10], [sflag:s6] =	dma.local [spmem:s11], $0x2800  }
0x6c: {  	_ =	swait.ge [sflag:s12], $0x2800  }
0x6d: {  	[sflag:s12] =	ssyncset.done $0x0  }
0x6e: {  	[sflag:s12] =	ssyncadd.s32 $0xFFFFD800  }
0x6f: {  	_ =	sfence.sel $0x180000  }
0x70: {  	[bflag:$0x0] =	sbarrier.arrive $0xFFFF  }
0x71: {  	_ =	strace $0x9000004A  }
0x72: {  	[bflag:$0x2] =	sbarrier.arrive $0xFFFF  }
0x73: {  	p0 =	sne.s32 s1, $0x0;
	s0 =	rddreg [dreg:$0x2]  }
0x74: {  	s0 =	sadd.s32 @!p0 $0x100000, s0  }
0x75: {  	[sflag:s0] =	ssyncadd.tile.s32 @!p0 $0x1;
	_ =	shalt  }
.Lfunc_end2:
_tile_overlayer_lowered:
.L_overlay_start_2:
0x76: {  	(tag) =	ssettag $0x2  }
0x77: {  	s0 =	rddreg [dreg:$0x0];
	s2 =	stileid.u32  }
0x78: {  	s1 =	rddreg [dreg:$0x1];
	p0 =	sne.s32 s2, $0x0  }
0x79: {  	s3 =	rddreg [dreg:$0x2];
	[bflag:$0x3] =	sbarrier.arrive $0xFFFF;
	s2 =	simm.s32 @!p0 $0x1C07  }
0x7a: {  	[timem:s3], [sflag:s2] =	dma.local @!p0 [hbm:s0], s1  }
0x7b: {  	s0 =	simm.s32 @!p0 $0x7  }
0x7c: {  	_ =	swait.ge @!p0 [sflag:s0], s1  }
0x7d: {  	s1 =	ssub.s32 @!p0 $0x0, s1;
	[sflag:s0] =	ssyncset.done @!p0 $0x0  }
0x7e: {  	[sflag:s0] =	ssyncadd.s32 @!p0 s1  }
0x7f: {  	[bflag:$0x3] =	sbarrier.arrive $0xFFFF  }
0x80: {  	_ =	shalt  }

// kernel: kernel.17.cloned.1.call-start
scs
__scs_entry_jumppad:
0x0: {  	(pc) =	sbr.rel $0x88, $3  }
0x1: {  	(tag) =	ssettag $0x0;
	lr =	simm.s32 $0x1  }
0x2: {  	[smem:$0x3F9A] =	sst lr;
	_ =	strace $0xD0000000  }
0x3: {  	_ = 	snop  }
0x4: {  	_ = 	snop  }
0x5: {  	_ = 	snop  }
0x6: {  	_ = 	snop  }
0x7: {  	_ = 	snop  }
__scs_overlays_trampoline_lowered:
0x8: {  	[smem:$0x3FA9] =	sst s0  }
0x9: {  	[smem:$0x3FAA] =	sst s1  }
0xa: {  	[smem:$0x3FAB] =	sst s2  }
0xb: {  	[smem:$0x3FAC] =	sst s3  }
0xc: {  	[smem:$0x3FAD] =	sst s4  }
0xd: {  	[smem:$0x3FAE] =	sst s5  }
0xe: {  	[smem:$0x3FAF] =	sst s6  }
0xf: {  	[smem:$0x3FB0] =	sst s7  }
0x10: {  	[smem:$0x3FB1] =	sst s8  }
0x11: {  	[smem:$0x3FB2] =	sst s9;
	s0 =	simm.s32 @!p0 $0x0  }
0x12: {  	s1 =	sld [smem:$0x3F98];
	s0 =	simm.s32 @p0 $0x1  }
0x13: {  	[smem:$0x3FB3] =	sst s0;
	s0 =	simm.s32 @!p1 $0x0  }
0x14: {  	s2 =	sld [smem:$0x3F97];
	s0 =	simm.s32 @p1 $0x1  }
0x15: {  	[smem:$0x3FB4] =	sst s0;
	s0 =	simm.s32 @!p2 $0x0  }
0x16: {  	s3 =	sld [smem:$0x3FDB];
	s0 =	simm.s32 @p2 $0x1  }
0x17: {  	s4 =	simm.s32 $0x1BF5;
	[smem:$0x3FB6] =	sst s0  }
0x18: {  	s0 =	sld [smem:$0x3F99];
	_ =	swait.ge [sflag:s4], $0x0  }
0x19: {  	s7 =	sld [smem:$0x3F9A]  }
0x1a: {  	s8 =	sadd.s32 $0xFFFFE003, lr  }
0x1b: {  	s9 =	sadd.s32 $0xFFFFFEF7, lr;
	s5 =	simm.s32 $0xFFFFFFFF;
	p2 =	slt.u32 s8, $0xFFFFF086  }
0x1c: {  	p1 =	slt.u32 s9, $0xF7A;
	s5 =	simm.s32 @!p2 $0x0  }
0x1d: {  	s5 =	simm.s32 @p1 $0x1;
	p0 =	seq.s32 s7, s2  }
0x1e: {  	s7 =	smul.u32 @!p0 $0xF7A, s2;
	p2 =	seq.s32 @!p0 s5, $0x0  }
0x1f: {  	s9 =	smul.u32 $0xF7A, s1;
	s8 =	simm.s32 @!p0 $0x1BF5;
	p2 =	por !p2, p0  }
0x20: {  	[sflag:s8] =	ssyncset.s32 @!p0 $0xFFFFF086;
	s6 =	sadd.s32 @!p0 s3, s7;
	s7 =	simm.s32 @!p0 $0x108  }
0x21: {  	s3 =	sadd.s32 s3, s9;
	s6 =	sadd.s32 @!p0 $0x88, s6;
	s7 =	simm.s32 @p2 $0x1082  }
0x22: {  	[simem:s7], [sflag:s8] =	dma.local @!p0 [hbm:s6], $0xF7A  }
0x23: {  	s9 =	sor.u32 $0xD0000000, s2;
	s6 =	simm.s32 $0x108;
	_ =	swait.ge @!p0 [sflag:s8], $0x0  }
0x24: {  	s3 =	sadd.s32 $0x88, s3;
	s6 =	simm.s32 @!p1 $0x1082;
	[sflag:s4] =	ssyncset.s32 $0xFFFFF086  }
0x25: {  	[simem:s6], [sflag:s4] =	dma.local [hbm:s3], $0xF7A  }
0x26: {  	[smem:$0x3F9A] =	sst s1;
	(tag) =	ssettag s2;
	_ =	strace s9  }
0x27: {  	s1 =	sld [smem:$0x3FAA]  }
0x28: {  	s2 =	sld [smem:$0x3FAB]  }
0x29: {  	s4 =	sld [smem:$0x3FAD]  }
0x2a: {  	p0 =	seq.s32 s5, $0x0;
	s5 =	sld [smem:$0x3FAE]  }
0x2b: {  	s6 =	sld [smem:$0x3FAF]  }
0x2c: {  	s7 =	sld [smem:$0x3FB0]  }
0x2d: {  	s3 =	simm.s32 $0x108;
	s8 =	sld [smem:$0x3FB1]  }
0x2e: {  	s3 =	simm.s32 @!p0 $0x1082;
	s9 =	sld [smem:$0x3FB2]  }
0x2f: {  	lr =	sadd.s32 s0, s3;
	s0 =	sld [smem:$0x3FA9]  }
0x30: {  	s3 =	sld [smem:$0x3FAC]  }
0x31: {  	[smem:$0x3FB5] =	sst s10  }
0x32: {  	s10 =	sld [smem:$0x3FB3];
	_ =	sdelay $0x3  }
0x33: {  	p0 =	seq.s32 s10, $0x1;
	s10 =	sld [smem:$0x3FB5];
	_ =	sdelay $0x3  }
0x34: {  	[smem:$0x3FB5] =	sst s10  }
0x35: {  	s10 =	sld [smem:$0x3FB4];
	_ =	sdelay $0x3  }
0x36: {  	p1 =	seq.s32 s10, $0x1;
	s10 =	sld [smem:$0x3FB5];
	_ =	sdelay $0x3  }
0x37: {  	[smem:$0x3FB5] =	sst s10  }
0x38: {  	s10 =	sld [smem:$0x3FB6]  }
0x39: {  	_ = 	snop;
	(pc) =	sbr.ind lr, $3  }
0x3a: {  	_ = 	snop  }
0x3b: {  	_ = 	snop  }
0x3c: {  	p2 =	seq.s32 s10, $0x1;
	s10 =	sld [smem:$0x3FB5]  }
0x3d: {  	_ =	shalt  }
0x3e: {  	_ =	shalt  }
0x3f: {  	_ =	shalt  }
0x40: {  	_ =	shalt  }
0x41: {  	_ =	shalt  }
0x42: {  	_ =	shalt  }
0x43: {  	_ =	shalt  }
0x44: {  	_ =	shalt  }
0x45: {  	_ =	shalt  }
0x46: {  	_ =	shalt  }
0x47: {  	_ =	shalt  }
0x48: {  	_ =	shalt  }
0x49: {  	_ =	shalt  }
0x4a: {  	_ =	shalt  }
0x4b: {  	_ =	shalt  }
0x4c: {  	_ =	shalt  }
0x4d: {  	_ =	shalt  }
0x4e: {  	_ =	shalt  }
0x4f: {  	_ =	shalt  }
0x50: {  	_ =	shalt  }
0x51: {  	_ =	shalt  }
0x52: {  	_ =	shalt  }
0x53: {  	_ =	shalt  }
0x54: {  	_ =	shalt  }
0x55: {  	_ =	shalt  }
0x56: {  	_ =	shalt  }
0x57: {  	_ =	shalt  }
0x58: {  	_ =	shalt  }
0x59: {  	_ =	shalt  }
0x5a: {  	_ =	shalt  }
0x5b: {  	_ =	shalt  }
0x5c: {  	_ =	shalt  }
0x5d: {  	_ =	shalt  }
0x5e: {  	_ =	shalt  }
0x5f: {  	_ =	shalt  }
0x60: {  	_ =	shalt  }
0x61: {  	_ =	shalt  }
0x62: {  	_ =	shalt  }
0x63: {  	_ =	shalt  }
0x64: {  	_ =	shalt  }
0x65: {  	_ =	shalt  }
0x66: {  	_ =	shalt  }
0x67: {  	_ =	shalt  }
0x68: {  	_ =	shalt  }
0x69: {  	_ =	shalt  }
0x6a: {  	_ =	shalt  }
0x6b: {  	_ =	shalt  }
0x6c: {  	_ =	shalt  }
0x6d: {  	_ =	shalt  }
0x6e: {  	_ =	shalt  }
0x6f: {  	_ =	shalt  }
0x70: {  	_ =	shalt  }
0x71: {  	_ =	shalt  }
0x72: {  	_ =	shalt  }
0x73: {  	_ =	shalt  }
0x74: {  	_ =	shalt  }
0x75: {  	_ =	shalt  }
0x76: {  	_ =	shalt  }
0x77: {  	_ =	shalt  }
0x78: {  	_ =	shalt  }
0x79: {  	_ =	shalt  }
0x7a: {  	_ =	shalt  }
0x7b: {  	_ =	shalt  }
0x7c: {  	_ =	shalt  }
0x7d: {  	_ =	shalt  }
0x7e: {  	_ =	shalt  }
0x7f: {  	_ =	shalt  }
0x80: {  	_ =	shalt  }
0x81: {  	_ =	shalt  }
0x82: {  	_ =	shalt  }
0x83: {  	_ =	shalt  }
0x84: {  	_ =	shalt  }
0x85: {  	_ =	shalt  }
0x86: {  	_ =	shalt  }
0x87: {  	_ =	shalt  }
.Lfunc_end0:
.L_simem_size_0:
called_computation.2_lowered:
.L_overlay_start_0:
0x88: {  	s2 =	sld [smem:$0x3FD9]  }
0x89: {  	s3 =	sld [smem:$0x3FFE];
	_ =	sdelay $0x1  }
0x8a: {  	s1 =	srdreg.scid  }
0x8b: {  	s0 =	sand.u32 $0x1, s1  }
0x8c: {  	s17 =	sshll.u32 s0, $0xA;
	s2 =	sadd.s32 s3, s2  }
0x8d: {  	s2 =	sadd.s32 s2, s17  }
0x8e: {  	[smem:$0x3FC1] =	sst s2  }
0x8f: {  	_ = 	snop  }
0x90: {  	s2 =	sld [smem:$0x3FD0];
	(tm) =	ssettm $0x1  }
0x91: {  	s18 =	sld [smem:$0x3FFB];
	_ =	sdelay $0x3  }
0x92: {  	_ =	strace s18  }
0x93: {  	s3 =	sld [smem:$0x3FFC];
	_ =	sdelay $0x3  }
0x94: {  	_ =	strace s3  }
0x95: {  	s3 =	sld [smem:$0x3FFD];
	_ =	sdelay $0x3  }
0x96: {  	_ =	strace s3  }
0x97: {  	_ =	strace $0x8FFFFFFF  }
0x98: {  	s19 =	sld [smem:$0x3FDB];
	_ =	sdelay $0x1  }
0x99: {  	s4 =	simm.s32 $_scs_section_size  }
0x9a: {  	s5 =	simm.s32 $_size__tile_overlayer_lowered;
	s6 =	simm.s32 $_tile_overlayer_lowered  }
0x9b: {  	s22 =	simm.s32 $0x1BFF;
	s21 =	sshll.u32 s6, $0x1;
	s3 =	sadd.s32 s4, s19  }
0x9c: {  	s7 =	simm.s32 $0x0;
	s20 =	sshll.u32 s5, $0x1;
	s5 =	sadd.s32 s21, s3  }
0x9d: {  	[timem:s7], [sflag:s22] =	dma.local [hbm:s5], s20  }
0x9e: {  	_ =	swait.ge [sflag:s22], s20  }
0x9f: {  	s4 =	ssub.s32 $0x0, s20;
	[sflag:s22] =	ssyncset.done $0x0  }
0xa0: {  	[sflag:s22] =	ssyncadd.s32 s4;
	_ =	sdelay $0x1  }
0xa1: {  	s23 =	simm.s32 $0x1B8B  }
0xa2: {  	_ =	swait.ge [sflag:s23], $0x1  }
0xa3: {  	[sflag:s23] =	ssyncset.done $0x0  }
0xa4: {  	s25 =	simm.s32 $0x1B8E;
	s24 =	sld [smem:$0x3FFE];
	[sflag:s23] =	ssyncadd.s32 $0xFFFFFFFF  }
0xa5: {  	s26 =	simm.s32 $execute0_lowered;
	[smem:$0x3FD2] =	sst s25  }
0xa6: {  	s5 =	sshll.u32 s26, $0x1;
	_ =	strace $0x8000004C;
	[dreg:$0x1] =	wrdreg $0xFFFFFFFF  }
0xa7: {  	s28 =	simm.s32 $_size_execute0_lowered;
	s3 =	sadd.s32 s3, s5;
	[dreg:$0x0] =	wrdreg $0x0  }
0xa8: {  	s5 =	sshll.u32 s28, $0x1;
	[dreg:$0x2] =	wrdreg s3  }
0xa9: {  	[dreg:$0x3] =	wrdreg s5  }
0xaa: {  	[dreg:$0x4] =	wrdreg $0xC0  }
0xab: {  	_ =	task [dreg:s7], $0x5FFFF  }
0xac: {  	[dreg:$0x1] =	wrdreg $0xFFFFFFFF  }
0xad: {  	[dreg:$0x0] =	wrdreg $0x60  }
0xae: {  	[dreg:$0x2] =	wrdreg s24  }
0xaf: {  	[dreg:$0x3] =	wrdreg s2  }
0xb0: {  	[dreg:$0x4] =	wrdreg $0xB0000  }
0xb1: {  	[dreg:$0x5] =	wrdreg $0x9  }
0xb2: {  	_ =	task.clear_ibuf [dreg:s7], $0x6FFFF;
	_ =	strace $0x9000004C  }
0xb3: {  	s29 =	simm.s32 $0x9;
	_ =	strace $0x8000004E  }
0xb4: {  	_ =	swait.ge [sflag:s29], $0x1  }
0xb5: {  	[sflag:s29] =	ssyncadd.s32 $0xFFFFFFFF  }
0xb6: {  	_ =	strace $0x9000004E  }
0xb7: {  	_ =	sfence  }
0xb8: {  	s30 =	sld [smem:$0x0];
	_ =	sdelay $0x2  }
0xb9: {  	s31 =	sshll.u32 s1, $0xD;
	s1 =	sshrl.u32 s1, $0x2  }
0xba: {  	s3 =	sand.u32 $0x4000, s31;
	s1 =	sadd.s32 s1, s30  }
0xbb: {  	s0 =	sor.u32 s3, s0;
	s1 =	sshll.u32 s1, $0x11  }
0xbc: {  	s0 =	sor.u32 s1, s0  }
0xbd: {  	s0 =	sadd.s32 $0x8F2B, s0  }
0xbe: {  	[sflag:s0] =	ssyncadd.remote.s32 $0x1  }
0xbf: {  	_ =	sfence.sel $0xFFFF  }
0xc0: {  	[dreg:$0x0] =	wrdreg $0xFFFFFFFF;
	(pc) =	sbr.abs _section_cstart, $3  }
0xc1: {  	[dreg:$0x1] =	wrdreg $0xFFFFFFFF  }
0xc2: {  	_ =	task.clear_ibuf [dreg:s7], $0x2FFFF;
	_ =	strace $0x9FFFFFFF  }
0xc3: {  	(tm) =	ssettm $0x7FFFFFFF  }
tec
execute0_lowered:
.L_overlay_start_1:
0x0: {  	(tag) =	ssettag $0x1  }
0x1: {  	s6 =	rddreg [dreg:$0x0]  }
0x2: {  	s9 =	rddreg [dreg:$0x1]  }
0x3: {  	s1 =	rddreg [dreg:$0x2];
	s3 =	simm.s32 $0x0  }
0x4: {  	s2 =	stileid.u32;
	s7 =	srdreg.scid;
	s16 =	simm.s32 $0x7000  }
0x5: {  	s17 =	simm.s32 $0x80;
	s18 =	simm.s32 $0x9000;
	s19 =	simm.s32 $0x1  }
0x6: {  	s20 =	simm.s32 $0x4;
	s21 =	simm.s32 $0x2;
	s22 =	simm.s32 $0x5  }
0x7: {  	s23 =	simm.s32 $0x3;
	s24 =	simm.s32 $0x6;
	s25 =	simm.s32 $0x4F00  }
0x8: {  	s26 =	simm.s32 $0x4F40;
	s28 =	simm.s32 $0x4F80;
	s29 =	simm.s32 $0x0  }
0x9: {  	[smem:$0x7FF] =	sst s3;
	s10 =	sadd.s32 $0xDC00, s6;
	s5 =	smul.u32 $0x500, s2  }
0xa: {  	s4 =	sadd.s32 $0x34E00, s6;
	s7 =	sand.u32 $0x1, s7;
	s8 =	smul.u32 $0x50000, s2  }
0xb: {  	s13 =	sadd.s32 $0x5E800, s6;
	s31 =	sshll.u32 s2, $0x6;
	s15 =	smul.u32 $0x2800, s2  }
0xc: {  	_ =	strace $0x8000004D;
	s12 =	ssub.s32 $0x2, s7;
	p0 =	seq.s32 s7, $0x0  }
0xd: {  	s11 =	sadd.s32 s5, s6;
	s5 =	sadd.s32 $0x5C000, s6;
	s30 =	sshrl.u32 s12, $0x1  }
0xe: {  	s8 =	sshrl.u32 s8, $0x2;
	s6 =	sor.u32 $0x1C07, s31;
	s13 =	smov.u32 @p0 s9  }
0xf: {  	s4 =	smov.u32 @p0 s10;
	s12 =	ssub.s32 s12, s30;
	s14 =	sadd.s32 s8, s1  }
0x10: {  	s7 =	sadd.s32 $0x8C00, s11;
	s8 =	sadd.s32 $0x3C00, s11;
	s10 =	sadd.s32 s13, s15  }
0x11: {  	s13 =	simm.s32 $0x2800;
	s15 =	simm.s32 $0x5000;
	s9 =	smax.u32 s12, $0x1  }
0x12: {  	s11 =	sshrl.u32 s14, $0x3;
	s12 =	simm.s32 $0x7;
	s14 =	simm.s32 $0x40  }
.LBB2_1:
0x13: {  	[spmem:s11], [sflag:s6] =	dma.local [hbm:s5], $0x2800  }
0x14: {  	_ =	swait.ge [sflag:s12], $0x2800  }
0x15: {  	[sflag:s12] =	ssyncset.done $0x0  }
0x16: {  	[sflag:s12] =	ssyncadd.s32 $0xFFFFD800  }
0x17: {  	[tilespmem:s3], [sflag:$0x7] =	stream.linear.gather [hbm4b:s7+s3], $0x2800, $0x38;
	[tilespmem:$0x1F000] =	vst v63  }
0x18: {  	_ =	swait.ge [sflag:s12], $0x2800  }
0x19: {  	[sflag:s12] =	ssyncset.done $0x0  }
0x1a: {  	[sflag:s12] =	ssyncadd.s32 $0xFFFFD800  }
0x1b: {  	[tilespmem:s13], [sflag:$0x7] =	stream.linear.gather [hbm4b:s8+s3], $0x2800, $0x38;
	[tilespmem:$0x1F000] =	vst v63  }
0x1c: {  	_ =	swait.ge [sflag:s12], $0x2800  }
0x1d: {  	[sflag:s12] =	ssyncset.done $0x0  }
0x1e: {  	[sflag:s12] =	ssyncadd.s32 $0xFFFFD800  }
0x1f: {  	[bflag:$0x0] =	sbarrier.arrive $0xFFFF  }
0x20: {  	[tilespmem:s15], [sflag:$0x1] =	stream.indirect.gather [hbm4b:s4+s14], $0x80, s3, s14, $0xb8;
	[tilespmem:$0x1F000] =	vst v63  }
0x21: {  	_ = 	snop  }
0x22: {  	[tilespmem:s16], [sflag:$0x2] =	stream.indirect.gather [hbm4b:s4+s14], $0x80, s14, s14, $0xb8;
	[tilespmem:$0x1F000] =	vst v63  }
0x23: {  	_ = 	snop  }
0x24: {  	[tilespmem:s18], [sflag:$0x3] =	stream.indirect.gather [hbm4b:s4+s14], $0x80, s17, s14, $0xb8;
	[tilespmem:$0x1F000] =	vst v63  }
0x25: {  	_ =	swait.ge [sflag:s19], $0x2000  }
0x26: {  	[sflag:s19] =	ssyncset.done $0x0  }
0x27: {  	s30 =	simm.s32 $0x2800;
	[sflag:s19] =	ssyncadd.s32 $0xFFFFE000  }
0x28: {  	[spmem:s1] =	stream.indirect.scatter.add.f32 [tilespmem:s15], [sflag:$0x4], $0x80, s30, s14, $0xb8;
	[tilespmem:$0x1F000] =	vst v63  }
0x29: {  	_ =	swait.ge [sflag:s20], $0x2000  }
0x2a: {  	[sflag:s20] =	ssyncset.done $0x0  }
0x2b: {  	s30 =	simm.s32 $0xC0;
	[sflag:s20] =	ssyncadd.s32 $0xFFFFE000  }
0x2c: {  	[tilespmem:s15], [sflag:$0x1] =	stream.indirect.gather [hbm4b:s4+s14], $0x80, s30, s14, $0xb8;
	[tilespmem:$0x1F000] =	vst v63  }
0x2d: {  	_ =	swait.ge [sflag:s21], $0x2000  }
0x2e: {  	[sflag:s21] =	ssyncset.done $0x0  }
0x2f: {  	s30 =	simm.s32 $0x2840;
	[sflag:s21] =	ssyncadd.s32 $0xFFFFE000  }
0x30: {  	[spmem:s1] =	stream.indirect.scatter.add.f32 [tilespmem:s16], [sflag:$0x5], $0x80, s30, s14, $0xb8;
	[tilespmem:$0x1F000] =	vst v63  }
0x31: {  	_ =	swait.ge [sflag:s22], $0x2000  }
0x32: {  	[sflag:s22] =	ssyncset.done $0x0  }
0x33: {  	s30 =	simm.s32 $0x100;
	[sflag:s22] =	ssyncadd.s32 $0xFFFFE000  }
0x34: {  	[tilespmem:s16], [sflag:$0x2] =	stream.indirect.gather [hbm4b:s4+s14], $0x80, s30, s14, $0xb8;
	[tilespmem:$0x1F000] =	vst v63  }
0x35: {  	_ =	swait.ge [sflag:s23], $0x2000  }
0x36: {  	[sflag:s23] =	ssyncset.done $0x0  }
0x37: {  	s30 =	simm.s32 $0x2880;
	[sflag:s23] =	ssyncadd.s32 $0xFFFFE000  }
0x38: {  	[spmem:s1] =	stream.indirect.scatter.add.f32 [tilespmem:s18], [sflag:$0x6], $0x80, s30, s14, $0xb8;
	[tilespmem:$0x1F000] =	vst v63  }
0x39: {  	_ =	swait.ge [sflag:s24], $0x2000  }
0x3a: {  	[sflag:s24] =	ssyncset.done $0x0  }
0x3b: {  	s31 =	simm.s32 $0x140;
	s30 =	simm.s32 $0x300;
	[sflag:s24] =	ssyncadd.s32 $0xFFFFE000  }
.LBB2_2:
0x3c: {  	[tilespmem:s18], [sflag:$0x3] =	stream.indirect.gather [hbm4b:s4+s14], $0x80, s31, s14, $0xb8;
	[tilespmem:$0x1F000] =	vst v63  }
0x3d: {  	s31 =	smov.u32 s30  }
0x3e: {  	p0 =	sne.s32 s30, $0x9900;
	s30 =	sadd.s32 $0x300, s30;
	_ =	swait.ge [sflag:s19], $0x2000  }
0x3f: {  	s31 =	sshra.s32 s31, $0x2;
	[sflag:s19] =	ssyncset.done $0x0  }
0x40: {  	s0 =	sadd.s32 $0x2800, s31;
	[sflag:s19] =	ssyncadd.s32 $0xFFFFE000  }
0x41: {  	[spmem:s1] =	stream.indirect.scatter.add.f32 [tilespmem:s15], [sflag:$0x4], $0x80, s0, s14, $0xb8;
	[tilespmem:$0x1F000] =	vst v63  }
0x42: {  	_ =	swait.ge [sflag:s20], $0x2000  }
0x43: {  	[sflag:s20] =	ssyncset.done $0x0  }
0x44: {  	s0 =	sadd.s32 $0xC0, s31;
	[sflag:s20] =	ssyncadd.s32 $0xFFFFE000  }
0x45: {  	[tilespmem:s15], [sflag:$0x1] =	stream.indirect.gather [hbm4b:s4+s14], $0x80, s0, s14, $0xb8;
	[tilespmem:$0x1F000] =	vst v63  }
0x46: {  	_ =	swait.ge [sflag:s21], $0x2000  }
0x47: {  	[sflag:s21] =	ssyncset.done $0x0  }
0x48: {  	s0 =	sadd.s32 $0x2840, s31;
	[sflag:s21] =	ssyncadd.s32 $0xFFFFE000  }
0x49: {  	[spmem:s1] =	stream.indirect.scatter.add.f32 [tilespmem:s16], [sflag:$0x5], $0x80, s0, s14, $0xb8;
	[tilespmem:$0x1F000] =	vst v63  }
0x4a: {  	_ =	swait.ge [sflag:s22], $0x2000  }
0x4b: {  	[sflag:s22] =	ssyncset.done $0x0  }
0x4c: {  	s0 =	sadd.s32 $0x100, s31;
	[sflag:s22] =	ssyncadd.s32 $0xFFFFE000  }
0x4d: {  	[tilespmem:s16], [sflag:$0x2] =	stream.indirect.gather [hbm4b:s4+s14], $0x80, s0, s14, $0xb8;
	[tilespmem:$0x1F000] =	vst v63  }
0x4e: {  	_ =	swait.ge [sflag:s23], $0x2000  }
0x4f: {  	[sflag:s23] =	ssyncset.done $0x0  }
.Ltmp0:
0x50: {  	s0 =	sadd.s32 $0x2880, s31;
	[sflag:s23] =	ssyncadd.s32 $0xFFFFE000;
	(pc) =	sbr.rel @p0 .LBB2_2-.Ltmp0, $4  }
0x51: {  	[spmem:s1] =	stream.indirect.scatter.add.f32 [tilespmem:s18], [sflag:$0x6], $0x80, s0, s14, $0xb8;
	[tilespmem:$0x1F000] =	vst v63  }
0x52: {  	_ =	swait.ge [sflag:s24], $0x2000  }
0x53: {  	[sflag:s24] =	ssyncset.done $0x0  }
0x54: {  	s31 =	sadd.s32 $0x140, s31;
	[sflag:s24] =	ssyncadd.s32 $0xFFFFE000  }
0x55: {  	[tilespmem:s18], [sflag:$0x3] =	stream.indirect.gather [hbm4b:s4+s14], $0x80, s31, s14, $0xb8;
	[tilespmem:$0x1F000] =	vst v63  }
0x56: {  	_ =	swait.ge [sflag:s19], $0x2000  }
0x57: {  	[sflag:s19] =	ssyncset.done $0x0  }
0x58: {  	[sflag:s19] =	ssyncadd.s32 $0xFFFFE000  }
0x59: {  	[spmem:s1] =	stream.indirect.scatter.add.f32 [tilespmem:s15], [sflag:$0x4], $0x80, s25, s14, $0xb8;
	[tilespmem:$0x1F000] =	vst v63  }
0x5a: {  	_ =	swait.ge [sflag:s21], $0x2000  }
0x5b: {  	[sflag:s21] =	ssyncset.done $0x0  }
0x5c: {  	[sflag:s21] =	ssyncadd.s32 $0xFFFFE000  }
0x5d: {  	[spmem:s1] =	stream.indirect.scatter.add.f32 [tilespmem:s16], [sflag:$0x5], $0x80, s26, s14, $0xb8;
	[tilespmem:$0x1F000] =	vst v63  }
0x5e: {  	_ =	swait.ge [sflag:s23], $0x2000  }
0x5f: {  	[sflag:s23] =	ssyncset.done $0x0  }
0x60: {  	[sflag:s23] =	ssyncadd.s32 $0xFFFFE000  }
0x61: {  	[spmem:s1] =	stream.indirect.scatter.add.f32 [tilespmem:s18], [sflag:$0x6], $0x80, s28, s14, $0xb8;
	[tilespmem:$0x1F000] =	vst v63  }
0x62: {  	_ =	swait.ge [sflag:s20], $0x2000  }
0x63: {  	[sflag:s20] =	ssyncset.done $0x0  }
0x64: {  	[sflag:s20] =	ssyncadd.s32 $0xFFFFE000  }
0x65: {  	_ =	swait.ge [sflag:s22], $0x2000  }
0x66: {  	[sflag:s22] =	ssyncset.done $0x0  }
0x67: {  	[sflag:s22] =	ssyncadd.s32 $0xFFFFE000  }
0x68: {  	_ =	swait.ge [sflag:s24], $0x2000  }
0x69: {  	s29 =	sadd.s32 $0x1, s29;
	[sflag:s24] =	ssyncset.done $0x0  }
0x6a: {  	p0 =	sne.s32 s29, s9;
	[sflag:s24] =	ssyncadd.s32 $0xFFFFE000  }
.Ltmp1:
0x6b: {  	[bflag:$0x0] =	sbarrier.arrive $0xFFFF;
	(pc) =	sbr.rel @p0 .LBB2_1-.Ltmp1, $4  }
0x6c: {  	[hbm:s10], [sflag:s6] =	dma.local [spmem:s11], $0x2800  }
0x6d: {  	_ =	swait.ge [sflag:s12], $0x2800  }
0x6e: {  	[sflag:s12] =	ssyncset.done $0x0  }
0x6f: {  	[sflag:s12] =	ssyncadd.s32 $0xFFFFD800  }
0x70: {  	_ =	sfence.sel $0x180000  }
0x71: {  	[bflag:$0x0] =	sbarrier.arrive $0xFFFF  }
0x72: {  	_ =	strace $0x9000004D  }
0x73: {  	[bflag:$0x2] =	sbarrier.arrive $0xFFFF  }
0x74: {  	p0 =	sne.s32 s2, $0x0;
	s0 =	rddreg [dreg:$0x3]  }
0x75: {  	s0 =	sadd.s32 @!p0 $0x100000, s0  }
0x76: {  	[sflag:s0] =	ssyncadd.tile.s32 @!p0 $0x1;
	_ =	shalt  }
.Lfunc_end2:
_tile_overlayer_lowered:
.L_overlay_start_2:
0x77: {  	(tag) =	ssettag $0x2  }
0x78: {  	s0 =	rddreg [dreg:$0x0];
	s2 =	stileid.u32  }
0x79: {  	s1 =	rddreg [dreg:$0x1];
	p0 =	sne.s32 s2, $0x0  }
0x7a: {  	s3 =	rddreg [dreg:$0x2];
	[bflag:$0x3] =	sbarrier.arrive $0xFFFF;
	s2 =	simm.s32 @!p0 $0x1C07  }
0x7b: {  	[timem:s3], [sflag:s2] =	dma.local @!p0 [hbm:s0], s1  }
0x7c: {  	s0 =	simm.s32 @!p0 $0x7  }
0x7d: {  	_ =	swait.ge @!p0 [sflag:s0], s1  }
0x7e: {  	s1 =	ssub.s32 @!p0 $0x0, s1;
	[sflag:s0] =	ssyncset.done @!p0 $0x0  }
0x7f: {  	[sflag:s0] =	ssyncadd.s32 @!p0 s1  }
0x80: {  	[bflag:$0x3] =	sbarrier.arrive $0xFFFF  }
0x81: {  	_ =	shalt  }

</sc_bundles>
